<compile_context>
chip_gen: v7x
topology: tpu7x:2x2x1
jax: 0.10.2.dev20260603
libtpu: 0.0.44.dev20260713+nightly
codegen_flags: <defaults>
</compile_context>

<pallas_src>
import functools

import jax
import jax.numpy as jnp
from jax import lax
from jax.experimental import pallas as pl
from jax.experimental.pallas import tpu as pltpu
from jax.experimental.pallas import tpu_sc as plsc

NC = 2
NS = 16
NW = NC * NS

BCH = 4
SPLITS = ((0, 96), (96, 104))


@functools.lru_cache(maxsize=None)
def _build(B0, H, V, D):
    assert B0 % (NW * BCH) == 0
    b_per_w = B0 // NW
    n_iter = b_per_w // BCH
    assert n_iter >= 4 and (n_iter - 2) % 2 == 0

    mesh = plsc.VectorSubcoreMesh(core_axis_name="c", subcore_axis_name="s")

    def body(x_hbm, table_hbm, out_hbm,
             i0, i1, r0, r1, is0, is1, gs0, gs1, ss0, ss1):
        I = (i0, i1)
        R = (r0, r1)
        isem = (is0, is1)
        gsem = (gs0, gs1)
        ssem = (ss0, ss1)
        wid = lax.axis_index("s") * NC + lax.axis_index("c")
        b_base = wid * b_per_w

        def start_idx(g, sl):
            pltpu.async_copy(
                x_hbm.at[pl.ds(b_base + g * BCH, BCH), :], I[sl], isem[sl])

        def wait_idx(sl):
            pltpu.make_async_copy(
                x_hbm.at[pl.ds(0, BCH), :], I[sl], isem[sl]).wait()

        def start_gathers(sl):
            for j in range(BCH):
                for (o, n) in SPLITS:
                    pltpu.async_copy(
                        table_hbm.at[I[sl].at[j, pl.ds(o, n)]],
                        R[sl].at[j, pl.ds(o, n)],
                        gsem[sl])

        def wait_gathers(sl):
            pltpu.make_async_copy(
                out_hbm.at[pl.ds(0, BCH), :, :], R[sl], gsem[sl]).wait()

        def start_store(g, sl):
            pltpu.async_copy(
                R[sl], out_hbm.at[pl.ds(b_base + g * BCH, BCH), :, :],
                ssem[sl])

        def wait_store(sl):
            pltpu.make_async_copy(
                R[sl], out_hbm.at[pl.ds(0, BCH), :, :], ssem[sl]).wait()

        start_idx(0, 0)
        start_idx(1, 1)
        wait_idx(0)
        start_gathers(0)
        wait_idx(1)
        start_gathers(1)
        wait_gathers(0)
        start_store(0, 0)
        start_idx(2, 0)

        @pl.loop(1, n_iter - 1, step=2)
        def _steady(base):
            for b in range(2):
                g = base + b
                sl = (1 + b) % 2
                nsl = 1 - sl
                wait_store(nsl)
                wait_idx(nsl)
                start_gathers(nsl)
                wait_gathers(sl)
                start_store(g, sl)
                gnext = jnp.minimum(g + 2, n_iter - 1)
                start_idx(gnext, sl)

        fb = (n_iter - 1) % 2
        nfb = 1 - fb
        wait_store(nfb)
        wait_idx(nfb)
        wait_gathers(fb)
        start_store(n_iter - 1, fb)
        wait_store(fb)

    return pl.kernel(
        body,
        out_type=jax.ShapeDtypeStruct((B0, H, D), jnp.float32),
        mesh=mesh,
        scratch_types=[
            pltpu.VMEM((BCH, H), jnp.int32),
            pltpu.VMEM((BCH, H), jnp.int32),
            pltpu.VMEM((BCH, H, D), jnp.float32),
            pltpu.VMEM((BCH, H, D), jnp.float32),
            pltpu.SemaphoreType.DMA,
            pltpu.SemaphoreType.DMA,
            pltpu.SemaphoreType.DMA,
            pltpu.SemaphoreType.DMA,
            pltpu.SemaphoreType.DMA,
            pltpu.SemaphoreType.DMA,
        ],
        compiler_params=pltpu.CompilerParams(use_tc_tiling_on_sc=False),
    )


def kernel(x, table):
    B0, H = x.shape
    V, D = table.shape
    return _build(B0, H, V, D)(x, table)

# --- scband reference (transcript-rebuilt; emitter-appended) ---
"""Pipeline reference for scband-embedder-35974646071804 (READ-ONLY COPY).

The authoritative reference and input builder live on the scoring server;
editing this copy changes nothing except your own understanding.
"""

import jax, jax.numpy as jnp
import numpy as np

VOCAB = 1000000
EMBED_DIM = 64
BATCH = 16384
HIST = 200

def setup_inputs(seed: int = 0) -> dict:
    key = jax.random.key(seed)
    k1, k2 = jax.random.split(key)
    x = jax.random.randint(k1, (BATCH, HIST), 0, VOCAB, dtype=jnp.int64 if jax.config.jax_enable_x64 else jnp.int32)
    table = jax.random.normal(k2, (VOCAB, EMBED_DIM), dtype=jnp.float32)
    return {"x": x, "table": table}

def reference(x, table):
    # Faithful translation of nn.Embedding forward: gather rows of the table.
    return jnp.take(table, x, axis=0)

if __name__ == "__main__":
    import jax
    _d = setup_inputs()
    print(jax.jit(kernel)(*tuple(_d.values())))

</pallas_src>

<mosaic_0001>
#map = affine_map<(d0, d1) -> (0, 0)>
#map1 = affine_map<(d0, d1) -> (0, 0, 0)>
module attributes {stable_mosaic.version = 14 : i64} {
  func.func @body(%arg0: i32, %arg1: i32, %arg2: memref<16384x200xi32, #tpu.memory_space<hbm>>, %arg3: memref<1000000x64xf32, #tpu.memory_space<hbm>>, %arg4: memref<16384x200x64xf32, #tpu.memory_space<hbm>>, %arg5: memref<4x200xi32, #tpu.memory_space<vmem>>, %arg6: memref<4x200xi32, #tpu.memory_space<vmem>>, %arg7: memref<4x200x64xf32, #tpu.memory_space<vmem>>, %arg8: memref<4x200x64xf32, #tpu.memory_space<vmem>>, %arg9: memref<!tpu.dma_semaphore, #tpu.memory_space<semaphore_mem>>, %arg10: memref<!tpu.dma_semaphore, #tpu.memory_space<semaphore_mem>>, %arg11: memref<!tpu.dma_semaphore, #tpu.memory_space<semaphore_mem>>, %arg12: memref<!tpu.dma_semaphore, #tpu.memory_space<semaphore_mem>>, %arg13: memref<!tpu.dma_semaphore, #tpu.memory_space<semaphore_mem>>, %arg14: memref<!tpu.dma_semaphore, #tpu.memory_space<semaphore_mem>>) attributes {dimension_semantics = [#tpu.dimension_semantics<core_parallel>, #tpu.dimension_semantics<subcore_parallel>], iteration_bounds = array<i64: 2, 16>, scalar_prefetch = 0 : i64, scratch_operands = 10 : i64, tpu.core_type = #tpu.core_type<sc_vector_subcore>, window_params = [{transform_indices = #map}, {transform_indices = #map}, {transform_indices = #map1}]} {
    %mul3A = arith.constant 2 : i32
    %mul3A_0 = arith.muli %arg1, %mul3A : i32
    %add3A = arith.addi %mul3A_0, %arg0 : i32
    %mul3A_1 = arith.constant 512 : i32
    %mul3A_2 = arith.muli %add3A, %mul3A_1 : i32
    %add3A_3 = arith.constant 0 : i32
    %add3A_4 = arith.addi %mul3A_2, %add3A_3 : i32
    %dma_start3A = arith.constant 0 : i32
    %dma_start3A_5 = tpu.memref_slice %arg2[%add3A_4, %dma_start3A] : memref<16384x200xi32, #tpu.memory_space<hbm>> -> memref<4x200xi32, #tpu.memory_space<hbm>>
    %dma_start3A_6 = arith.constant 0 : i32
    %dma_start3A_7 = tpu.memref_slice %arg2[%add3A_4, %dma_start3A_6] : memref<16384x200xi32, #tpu.memory_space<hbm>> -> memref<4x200xi32, #tpu.memory_space<hbm>>
    tpu.enqueue_dma source(%dma_start3A_7 : memref<4x200xi32, #tpu.memory_space<hbm>>) target(%arg5 : memref<4x200xi32, #tpu.memory_space<vmem>>) target_semaphore(%arg9 : memref<!tpu.dma_semaphore, #tpu.memory_space<semaphore_mem>>)
    %add3A_8 = arith.constant 4 : i32
    %add3A_9 = arith.addi %mul3A_2, %add3A_8 : i32
    %dma_start3A_10 = arith.constant 0 : i32
    %dma_start3A_11 = tpu.memref_slice %arg2[%add3A_9, %dma_start3A_10] : memref<16384x200xi32, #tpu.memory_space<hbm>> -> memref<4x200xi32, #tpu.memory_space<hbm>>
    %dma_start3A_12 = arith.constant 0 : i32
    %dma_start3A_13 = tpu.memref_slice %arg2[%add3A_9, %dma_start3A_12] : memref<16384x200xi32, #tpu.memory_space<hbm>> -> memref<4x200xi32, #tpu.memory_space<hbm>>
    tpu.enqueue_dma source(%dma_start3A_13 : memref<4x200xi32, #tpu.memory_space<hbm>>) target(%arg6 : memref<4x200xi32, #tpu.memory_space<vmem>>) target_semaphore(%arg10 : memref<!tpu.dma_semaphore, #tpu.memory_space<semaphore_mem>>)
    %dma_wait3A = arith.constant 0 : i32
    %dma_wait3A_14 = arith.constant 0 : i32
    %dma_wait3A_15 = tpu.memref_slice %arg2[%dma_wait3A, %dma_wait3A_14] : memref<16384x200xi32, #tpu.memory_space<hbm>> -> memref<4x200xi32, #tpu.memory_space<hbm>>
    %dma_wait3A_16 = arith.constant 0 : i32
    %dma_wait3A_17 = arith.constant 0 : i32
    %dma_wait3A_18 = tpu.memref_slice %arg2[%dma_wait3A_16, %dma_wait3A_17] : memref<16384x200xi32, #tpu.memory_space<hbm>> -> memref<4x200xi32, #tpu.memory_space<hbm>>
    tpu.wait_dma2 semaphore(%arg9 : memref<!tpu.dma_semaphore, #tpu.memory_space<semaphore_mem>>) src(%dma_wait3A_18 : memref<4x200xi32, #tpu.memory_space<hbm>>) dst(%arg5 : memref<4x200xi32, #tpu.memory_space<vmem>>)
    %dma_start3A_19 = arith.constant 0 : i32
    %dma_start3A_20 = arith.constant 0 : i32
    %dma_start3A_21 = arith.constant 0 : i32
    %dma_start3A_22 = arith.constant 0 : i32
    %dma_start3A_23 = tpu.memref_slice %arg7[%dma_start3A_20, %dma_start3A_21, %dma_start3A_22] : memref<4x200x64xf32, #tpu.memory_space<vmem>> -> memref<1x96x64xf32, #tpu.memory_space<vmem>>
    %dma_start3A_24 = tpu.memref_squeeze %dma_start3A_23 : memref<1x96x64xf32, #tpu.memory_space<vmem>> -> memref<96x64xf32, #tpu.memory_space<vmem>>
    %dma_start3A_25 = arith.constant 0 : i32
    %dma_start3A_26 = tpu.memref_slice %arg5[%dma_start3A_19, %dma_start3A_25] : memref<4x200xi32, #tpu.memory_space<vmem>> -> memref<1x96xi32, #tpu.memory_space<vmem>>
    %dma_start3A_27 = tpu.memref_squeeze %dma_start3A_26 : memref<1x96xi32, #tpu.memory_space<vmem>> -> memref<96xi32, #tpu.memory_space<vmem>>
    %dma_start3A_28 = arith.constant 0 : i32
    %dma_start3A_29 = arith.constant 0 : i32
    %dma_start3A_30 = tpu.memref_slice %arg3[%dma_start3A_28, %dma_start3A_29] : memref<1000000x64xf32, #tpu.memory_space<hbm>> -> memref<1000000x64xf32, #tpu.memory_space<hbm>>
    tpu.enqueue_indirect_dma source(%dma_start3A_30 : memref<1000000x64xf32, #tpu.memory_space<hbm>>) target(%dma_start3A_24 : memref<96x64xf32, #tpu.memory_space<vmem>>) offsets(%dma_start3A_27 : memref<96xi32, #tpu.memory_space<vmem>>) semaphore(%arg11 : memref<!tpu.dma_semaphore, #tpu.memory_space<semaphore_mem>>)
    %dma_start3A_31 = arith.constant 0 : i32
    %dma_start3A_32 = arith.constant 0 : i32
    %dma_start3A_33 = arith.constant 96 : i32
    %dma_start3A_34 = arith.constant 0 : i32
    %dma_start3A_35 = tpu.memref_slice %arg7[%dma_start3A_32, %dma_start3A_33, %dma_start3A_34] : memref<4x200x64xf32, #tpu.memory_space<vmem>> -> memref<1x104x64xf32, #tpu.memory_space<vmem>>
    %dma_start3A_36 = tpu.memref_squeeze %dma_start3A_35 : memref<1x104x64xf32, #tpu.memory_space<vmem>> -> memref<104x64xf32, #tpu.memory_space<vmem>>
    %dma_start3A_37 = arith.constant 96 : i32
    %dma_start3A_38 = tpu.memref_slice %arg5[%dma_start3A_31, %dma_start3A_37] : memref<4x200xi32, #tpu.memory_space<vmem>> -> memref<1x104xi32, #tpu.memory_space<vmem>>
    %dma_start3A_39 = tpu.memref_squeeze %dma_start3A_38 : memref<1x104xi32, #tpu.memory_space<vmem>> -> memref<104xi32, #tpu.memory_space<vmem>>
    %dma_start3A_40 = arith.constant 0 : i32
    %dma_start3A_41 = arith.constant 0 : i32
    %dma_start3A_42 = tpu.memref_slice %arg3[%dma_start3A_40, %dma_start3A_41] : memref<1000000x64xf32, #tpu.memory_space<hbm>> -> memref<1000000x64xf32, #tpu.memory_space<hbm>>
    tpu.enqueue_indirect_dma source(%dma_start3A_42 : memref<1000000x64xf32, #tpu.memory_space<hbm>>) target(%dma_start3A_36 : memref<104x64xf32, #tpu.memory_space<vmem>>) offsets(%dma_start3A_39 : memref<104xi32, #tpu.memory_space<vmem>>) semaphore(%arg11 : memref<!tpu.dma_semaphore, #tpu.memory_space<semaphore_mem>>)
    %dma_start3A_43 = arith.constant 1 : i32
    %dma_start3A_44 = arith.constant 1 : i32
    %dma_start3A_45 = arith.constant 0 : i32
    %dma_start3A_46 = arith.constant 0 : i32
    %dma_start3A_47 = tpu.memref_slice %arg7[%dma_start3A_44, %dma_start3A_45, %dma_start3A_46] : memref<4x200x64xf32, #tpu.memory_space<vmem>> -> memref<1x96x64xf32, #tpu.memory_space<vmem>>
    %dma_start3A_48 = tpu.memref_squeeze %dma_start3A_47 : memref<1x96x64xf32, #tpu.memory_space<vmem>> -> memref<96x64xf32, #tpu.memory_space<vmem>>
    %dma_start3A_49 = arith.constant 0 : i32
    %dma_start3A_50 = tpu.memref_slice %arg5[%dma_start3A_43, %dma_start3A_49] : memref<4x200xi32, #tpu.memory_space<vmem>> -> memref<1x96xi32, #tpu.memory_space<vmem>>
    %dma_start3A_51 = tpu.memref_squeeze %dma_start3A_50 : memref<1x96xi32, #tpu.memory_space<vmem>> -> memref<96xi32, #tpu.memory_space<vmem>>
    %dma_start3A_52 = arith.constant 0 : i32
    %dma_start3A_53 = arith.constant 0 : i32
    %dma_start3A_54 = tpu.memref_slice %arg3[%dma_start3A_52, %dma_start3A_53] : memref<1000000x64xf32, #tpu.memory_space<hbm>> -> memref<1000000x64xf32, #tpu.memory_space<hbm>>
    tpu.enqueue_indirect_dma source(%dma_start3A_54 : memref<1000000x64xf32, #tpu.memory_space<hbm>>) target(%dma_start3A_48 : memref<96x64xf32, #tpu.memory_space<vmem>>) offsets(%dma_start3A_51 : memref<96xi32, #tpu.memory_space<vmem>>) semaphore(%arg11 : memref<!tpu.dma_semaphore, #tpu.memory_space<semaphore_mem>>)
    %dma_start3A_55 = arith.constant 1 : i32
    %dma_start3A_56 = arith.constant 1 : i32
    %dma_start3A_57 = arith.constant 96 : i32
    %dma_start3A_58 = arith.constant 0 : i32
    %dma_start3A_59 = tpu.memref_slice %arg7[%dma_start3A_56, %dma_start3A_57, %dma_start3A_58] : memref<4x200x64xf32, #tpu.memory_space<vmem>> -> memref<1x104x64xf32, #tpu.memory_space<vmem>>
    %dma_start3A_60 = tpu.memref_squeeze %dma_start3A_59 : memref<1x104x64xf32, #tpu.memory_space<vmem>> -> memref<104x64xf32, #tpu.memory_space<vmem>>
    %dma_start3A_61 = arith.constant 96 : i32
    %dma_start3A_62 = tpu.memref_slice %arg5[%dma_start3A_55, %dma_start3A_61] : memref<4x200xi32, #tpu.memory_space<vmem>> -> memref<1x104xi32, #tpu.memory_space<vmem>>
    %dma_start3A_63 = tpu.memref_squeeze %dma_start3A_62 : memref<1x104xi32, #tpu.memory_space<vmem>> -> memref<104xi32, #tpu.memory_space<vmem>>
    %dma_start3A_64 = arith.constant 0 : i32
    %dma_start3A_65 = arith.constant 0 : i32
    %dma_start3A_66 = tpu.memref_slice %arg3[%dma_start3A_64, %dma_start3A_65] : memref<1000000x64xf32, #tpu.memory_space<hbm>> -> memref<1000000x64xf32, #tpu.memory_space<hbm>>
    tpu.enqueue_indirect_dma source(%dma_start3A_66 : memref<1000000x64xf32, #tpu.memory_space<hbm>>) target(%dma_start3A_60 : memref<104x64xf32, #tpu.memory_space<vmem>>) offsets(%dma_start3A_63 : memref<104xi32, #tpu.memory_space<vmem>>) semaphore(%arg11 : memref<!tpu.dma_semaphore, #tpu.memory_space<semaphore_mem>>)
    %dma_start3A_67 = arith.constant 2 : i32
    %dma_start3A_68 = arith.constant 2 : i32
    %dma_start3A_69 = arith.constant 0 : i32
    %dma_start3A_70 = arith.constant 0 : i32
    %dma_start3A_71 = tpu.memref_slice %arg7[%dma_start3A_68, %dma_start3A_69, %dma_start3A_70] : memref<4x200x64xf32, #tpu.memory_space<vmem>> -> memref<1x96x64xf32, #tpu.memory_space<vmem>>
    %dma_start3A_72 = tpu.memref_squeeze %dma_start3A_71 : memref<1x96x64xf32, #tpu.memory_space<vmem>> -> memref<96x64xf32, #tpu.memory_space<vmem>>
    %dma_start3A_73 = arith.constant 0 : i32
    %dma_start3A_74 = tpu.memref_slice %arg5[%dma_start3A_67, %dma_start3A_73] : memref<4x200xi32, #tpu.memory_space<vmem>> -> memref<1x96xi32, #tpu.memory_space<vmem>>
    %dma_start3A_75 = tpu.memref_squeeze %dma_start3A_74 : memref<1x96xi32, #tpu.memory_space<vmem>> -> memref<96xi32, #tpu.memory_space<vmem>>
    %dma_start3A_76 = arith.constant 0 : i32
    %dma_start3A_77 = arith.constant 0 : i32
    %dma_start3A_78 = tpu.memref_slice %arg3[%dma_start3A_76, %dma_start3A_77] : memref<1000000x64xf32, #tpu.memory_space<hbm>> -> memref<1000000x64xf32, #tpu.memory_space<hbm>>
    tpu.enqueue_indirect_dma source(%dma_start3A_78 : memref<1000000x64xf32, #tpu.memory_space<hbm>>) target(%dma_start3A_72 : memref<96x64xf32, #tpu.memory_space<vmem>>) offsets(%dma_start3A_75 : memref<96xi32, #tpu.memory_space<vmem>>) semaphore(%arg11 : memref<!tpu.dma_semaphore, #tpu.memory_space<semaphore_mem>>)
    %dma_start3A_79 = arith.constant 2 : i32
    %dma_start3A_80 = arith.constant 2 : i32
    %dma_start3A_81 = arith.constant 96 : i32
    %dma_start3A_82 = arith.constant 0 : i32
    %dma_start3A_83 = tpu.memref_slice %arg7[%dma_start3A_80, %dma_start3A_81, %dma_start3A_82] : memref<4x200x64xf32, #tpu.memory_space<vmem>> -> memref<1x104x64xf32, #tpu.memory_space<vmem>>
    %dma_start3A_84 = tpu.memref_squeeze %dma_start3A_83 : memref<1x104x64xf32, #tpu.memory_space<vmem>> -> memref<104x64xf32, #tpu.memory_space<vmem>>
    %dma_start3A_85 = arith.constant 96 : i32
    %dma_start3A_86 = tpu.memref_slice %arg5[%dma_start3A_79, %dma_start3A_85] : memref<4x200xi32, #tpu.memory_space<vmem>> -> memref<1x104xi32, #tpu.memory_space<vmem>>
    %dma_start3A_87 = tpu.memref_squeeze %dma_start3A_86 : memref<1x104xi32, #tpu.memory_space<vmem>> -> memref<104xi32, #tpu.memory_space<vmem>>
    %dma_start3A_88 = arith.constant 0 : i32
    %dma_start3A_89 = arith.constant 0 : i32
    %dma_start3A_90 = tpu.memref_slice %arg3[%dma_start3A_88, %dma_start3A_89] : memref<1000000x64xf32, #tpu.memory_space<hbm>> -> memref<1000000x64xf32, #tpu.memory_space<hbm>>
    tpu.enqueue_indirect_dma source(%dma_start3A_90 : memref<1000000x64xf32, #tpu.memory_space<hbm>>) target(%dma_start3A_84 : memref<104x64xf32, #tpu.memory_space<vmem>>) offsets(%dma_start3A_87 : memref<104xi32, #tpu.memory_space<vmem>>) semaphore(%arg11 : memref<!tpu.dma_semaphore, #tpu.memory_space<semaphore_mem>>)
    %dma_start3A_91 = arith.constant 3 : i32
    %dma_start3A_92 = arith.constant 3 : i32
    %dma_start3A_93 = arith.constant 0 : i32
    %dma_start3A_94 = arith.constant 0 : i32
    %dma_start3A_95 = tpu.memref_slice %arg7[%dma_start3A_92, %dma_start3A_93, %dma_start3A_94] : memref<4x200x64xf32, #tpu.memory_space<vmem>> -> memref<1x96x64xf32, #tpu.memory_space<vmem>>
    %dma_start3A_96 = tpu.memref_squeeze %dma_start3A_95 : memref<1x96x64xf32, #tpu.memory_space<vmem>> -> memref<96x64xf32, #tpu.memory_space<vmem>>
    %dma_start3A_97 = arith.constant 0 : i32
    %dma_start3A_98 = tpu.memref_slice %arg5[%dma_start3A_91, %dma_start3A_97] : memref<4x200xi32, #tpu.memory_space<vmem>> -> memref<1x96xi32, #tpu.memory_space<vmem>>
    %dma_start3A_99 = tpu.memref_squeeze %dma_start3A_98 : memref<1x96xi32, #tpu.memory_space<vmem>> -> memref<96xi32, #tpu.memory_space<vmem>>
    %dma_start3A_100 = arith.constant 0 : i32
    %dma_start3A_101 = arith.constant 0 : i32
    %dma_start3A_102 = tpu.memref_slice %arg3[%dma_start3A_100, %dma_start3A_101] : memref<1000000x64xf32, #tpu.memory_space<hbm>> -> memref<1000000x64xf32, #tpu.memory_space<hbm>>
    tpu.enqueue_indirect_dma source(%dma_start3A_102 : memref<1000000x64xf32, #tpu.memory_space<hbm>>) target(%dma_start3A_96 : memref<96x64xf32, #tpu.memory_space<vmem>>) offsets(%dma_start3A_99 : memref<96xi32, #tpu.memory_space<vmem>>) semaphore(%arg11 : memref<!tpu.dma_semaphore, #tpu.memory_space<semaphore_mem>>)
    %dma_start3A_103 = arith.constant 3 : i32
    %dma_start3A_104 = arith.constant 3 : i32
    %dma_start3A_105 = arith.constant 96 : i32
    %dma_start3A_106 = arith.constant 0 : i32
    %dma_start3A_107 = tpu.memref_slice %arg7[%dma_start3A_104, %dma_start3A_105, %dma_start3A_106] : memref<4x200x64xf32, #tpu.memory_space<vmem>> -> memref<1x104x64xf32, #tpu.memory_space<vmem>>
    %dma_start3A_108 = tpu.memref_squeeze %dma_start3A_107 : memref<1x104x64xf32, #tpu.memory_space<vmem>> -> memref<104x64xf32, #tpu.memory_space<vmem>>
    %dma_start3A_109 = arith.constant 96 : i32
    %dma_start3A_110 = tpu.memref_slice %arg5[%dma_start3A_103, %dma_start3A_109] : memref<4x200xi32, #tpu.memory_space<vmem>> -> memref<1x104xi32, #tpu.memory_space<vmem>>
    %dma_start3A_111 = tpu.memref_squeeze %dma_start3A_110 : memref<1x104xi32, #tpu.memory_space<vmem>> -> memref<104xi32, #tpu.memory_space<vmem>>
    %dma_start3A_112 = arith.constant 0 : i32
    %dma_start3A_113 = arith.constant 0 : i32
    %dma_start3A_114 = tpu.memref_slice %arg3[%dma_start3A_112, %dma_start3A_113] : memref<1000000x64xf32, #tpu.memory_space<hbm>> -> memref<1000000x64xf32, #tpu.memory_space<hbm>>
    tpu.enqueue_indirect_dma source(%dma_start3A_114 : memref<1000000x64xf32, #tpu.memory_space<hbm>>) target(%dma_start3A_108 : memref<104x64xf32, #tpu.memory_space<vmem>>) offsets(%dma_start3A_111 : memref<104xi32, #tpu.memory_space<vmem>>) semaphore(%arg11 : memref<!tpu.dma_semaphore, #tpu.memory_space<semaphore_mem>>)
    %dma_wait3A_115 = arith.constant 0 : i32
    %dma_wait3A_116 = arith.constant 0 : i32
    %dma_wait3A_117 = tpu.memref_slice %arg2[%dma_wait3A_115, %dma_wait3A_116] : memref<16384x200xi32, #tpu.memory_space<hbm>> -> memref<4x200xi32, #tpu.memory_space<hbm>>
    %dma_wait3A_118 = arith.constant 0 : i32
    %dma_wait3A_119 = arith.constant 0 : i32
    %dma_wait3A_120 = tpu.memref_slice %arg2[%dma_wait3A_118, %dma_wait3A_119] : memref<16384x200xi32, #tpu.memory_space<hbm>> -> memref<4x200xi32, #tpu.memory_space<hbm>>
    tpu.wait_dma2 semaphore(%arg10 : memref<!tpu.dma_semaphore, #tpu.memory_space<semaphore_mem>>) src(%dma_wait3A_120 : memref<4x200xi32, #tpu.memory_space<hbm>>) dst(%arg6 : memref<4x200xi32, #tpu.memory_space<vmem>>)
    %dma_start3A_121 = arith.constant 0 : i32
    %dma_start3A_122 = arith.constant 0 : i32
    %dma_start3A_123 = arith.constant 0 : i32
    %dma_start3A_124 = arith.constant 0 : i32
    %dma_start3A_125 = tpu.memref_slice %arg8[%dma_start3A_122, %dma_start3A_123, %dma_start3A_124] : memref<4x200x64xf32, #tpu.memory_space<vmem>> -> memref<1x96x64xf32, #tpu.memory_space<vmem>>
    %dma_start3A_126 = tpu.memref_squeeze %dma_start3A_125 : memref<1x96x64xf32, #tpu.memory_space<vmem>> -> memref<96x64xf32, #tpu.memory_space<vmem>>
    %dma_start3A_127 = arith.constant 0 : i32
    %dma_start3A_128 = tpu.memref_slice %arg6[%dma_start3A_121, %dma_start3A_127] : memref<4x200xi32, #tpu.memory_space<vmem>> -> memref<1x96xi32, #tpu.memory_space<vmem>>
    %dma_start3A_129 = tpu.memref_squeeze %dma_start3A_128 : memref<1x96xi32, #tpu.memory_space<vmem>> -> memref<96xi32, #tpu.memory_space<vmem>>
    %dma_start3A_130 = arith.constant 0 : i32
    %dma_start3A_131 = arith.constant 0 : i32
    %dma_start3A_132 = tpu.memref_slice %arg3[%dma_start3A_130, %dma_start3A_131] : memref<1000000x64xf32, #tpu.memory_space<hbm>> -> memref<1000000x64xf32, #tpu.memory_space<hbm>>
    tpu.enqueue_indirect_dma source(%dma_start3A_132 : memref<1000000x64xf32, #tpu.memory_space<hbm>>) target(%dma_start3A_126 : memref<96x64xf32, #tpu.memory_space<vmem>>) offsets(%dma_start3A_129 : memref<96xi32, #tpu.memory_space<vmem>>) semaphore(%arg12 : memref<!tpu.dma_semaphore, #tpu.memory_space<semaphore_mem>>)
    %dma_start3A_133 = arith.constant 0 : i32
    %dma_start3A_134 = arith.constant 0 : i32
    %dma_start3A_135 = arith.constant 96 : i32
    %dma_start3A_136 = arith.constant 0 : i32
    %dma_start3A_137 = tpu.memref_slice %arg8[%dma_start3A_134, %dma_start3A_135, %dma_start3A_136] : memref<4x200x64xf32, #tpu.memory_space<vmem>> -> memref<1x104x64xf32, #tpu.memory_space<vmem>>
    %dma_start3A_138 = tpu.memref_squeeze %dma_start3A_137 : memref<1x104x64xf32, #tpu.memory_space<vmem>> -> memref<104x64xf32, #tpu.memory_space<vmem>>
    %dma_start3A_139 = arith.constant 96 : i32
    %dma_start3A_140 = tpu.memref_slice %arg6[%dma_start3A_133, %dma_start3A_139] : memref<4x200xi32, #tpu.memory_space<vmem>> -> memref<1x104xi32, #tpu.memory_space<vmem>>
    %dma_start3A_141 = tpu.memref_squeeze %dma_start3A_140 : memref<1x104xi32, #tpu.memory_space<vmem>> -> memref<104xi32, #tpu.memory_space<vmem>>
    %dma_start3A_142 = arith.constant 0 : i32
    %dma_start3A_143 = arith.constant 0 : i32
    %dma_start3A_144 = tpu.memref_slice %arg3[%dma_start3A_142, %dma_start3A_143] : memref<1000000x64xf32, #tpu.memory_space<hbm>> -> memref<1000000x64xf32, #tpu.memory_space<hbm>>
    tpu.enqueue_indirect_dma source(%dma_start3A_144 : memref<1000000x64xf32, #tpu.memory_space<hbm>>) target(%dma_start3A_138 : memref<104x64xf32, #tpu.memory_space<vmem>>) offsets(%dma_start3A_141 : memref<104xi32, #tpu.memory_space<vmem>>) semaphore(%arg12 : memref<!tpu.dma_semaphore, #tpu.memory_space<semaphore_mem>>)
    %dma_start3A_145 = arith.constant 1 : i32
    %dma_start3A_146 = arith.constant 1 : i32
    %dma_start3A_147 = arith.constant 0 : i32
    %dma_start3A_148 = arith.constant 0 : i32
    %dma_start3A_149 = tpu.memref_slice %arg8[%dma_start3A_146, %dma_start3A_147, %dma_start3A_148] : memref<4x200x64xf32, #tpu.memory_space<vmem>> -> memref<1x96x64xf32, #tpu.memory_space<vmem>>
    %dma_start3A_150 = tpu.memref_squeeze %dma_start3A_149 : memref<1x96x64xf32, #tpu.memory_space<vmem>> -> memref<96x64xf32, #tpu.memory_space<vmem>>
    %dma_start3A_151 = arith.constant 0 : i32
    %dma_start3A_152 = tpu.memref_slice %arg6[%dma_start3A_145, %dma_start3A_151] : memref<4x200xi32, #tpu.memory_space<vmem>> -> memref<1x96xi32, #tpu.memory_space<vmem>>
    %dma_start3A_153 = tpu.memref_squeeze %dma_start3A_152 : memref<1x96xi32, #tpu.memory_space<vmem>> -> memref<96xi32, #tpu.memory_space<vmem>>
    %dma_start3A_154 = arith.constant 0 : i32
    %dma_start3A_155 = arith.constant 0 : i32
    %dma_start3A_156 = tpu.memref_slice %arg3[%dma_start3A_154, %dma_start3A_155] : memref<1000000x64xf32, #tpu.memory_space<hbm>> -> memref<1000000x64xf32, #tpu.memory_space<hbm>>
    tpu.enqueue_indirect_dma source(%dma_start3A_156 : memref<1000000x64xf32, #tpu.memory_space<hbm>>) target(%dma_start3A_150 : memref<96x64xf32, #tpu.memory_space<vmem>>) offsets(%dma_start3A_153 : memref<96xi32, #tpu.memory_space<vmem>>) semaphore(%arg12 : memref<!tpu.dma_semaphore, #tpu.memory_space<semaphore_mem>>)
    %dma_start3A_157 = arith.constant 1 : i32
    %dma_start3A_158 = arith.constant 1 : i32
    %dma_start3A_159 = arith.constant 96 : i32
    %dma_start3A_160 = arith.constant 0 : i32
    %dma_start3A_161 = tpu.memref_slice %arg8[%dma_start3A_158, %dma_start3A_159, %dma_start3A_160] : memref<4x200x64xf32, #tpu.memory_space<vmem>> -> memref<1x104x64xf32, #tpu.memory_space<vmem>>
    %dma_start3A_162 = tpu.memref_squeeze %dma_start3A_161 : memref<1x104x64xf32, #tpu.memory_space<vmem>> -> memref<104x64xf32, #tpu.memory_space<vmem>>
    %dma_start3A_163 = arith.constant 96 : i32
    %dma_start3A_164 = tpu.memref_slice %arg6[%dma_start3A_157, %dma_start3A_163] : memref<4x200xi32, #tpu.memory_space<vmem>> -> memref<1x104xi32, #tpu.memory_space<vmem>>
    %dma_start3A_165 = tpu.memref_squeeze %dma_start3A_164 : memref<1x104xi32, #tpu.memory_space<vmem>> -> memref<104xi32, #tpu.memory_space<vmem>>
    %dma_start3A_166 = arith.constant 0 : i32
    %dma_start3A_167 = arith.constant 0 : i32
    %dma_start3A_168 = tpu.memref_slice %arg3[%dma_start3A_166, %dma_start3A_167] : memref<1000000x64xf32, #tpu.memory_space<hbm>> -> memref<1000000x64xf32, #tpu.memory_space<hbm>>
    tpu.enqueue_indirect_dma source(%dma_start3A_168 : memref<1000000x64xf32, #tpu.memory_space<hbm>>) target(%dma_start3A_162 : memref<104x64xf32, #tpu.memory_space<vmem>>) offsets(%dma_start3A_165 : memref<104xi32, #tpu.memory_space<vmem>>) semaphore(%arg12 : memref<!tpu.dma_semaphore, #tpu.memory_space<semaphore_mem>>)
    %dma_start3A_169 = arith.constant 2 : i32
    %dma_start3A_170 = arith.constant 2 : i32
    %dma_start3A_171 = arith.constant 0 : i32
    %dma_start3A_172 = arith.constant 0 : i32
    %dma_start3A_173 = tpu.memref_slice %arg8[%dma_start3A_170, %dma_start3A_171, %dma_start3A_172] : memref<4x200x64xf32, #tpu.memory_space<vmem>> -> memref<1x96x64xf32, #tpu.memory_space<vmem>>
    %dma_start3A_174 = tpu.memref_squeeze %dma_start3A_173 : memref<1x96x64xf32, #tpu.memory_space<vmem>> -> memref<96x64xf32, #tpu.memory_space<vmem>>
    %dma_start3A_175 = arith.constant 0 : i32
    %dma_start3A_176 = tpu.memref_slice %arg6[%dma_start3A_169, %dma_start3A_175] : memref<4x200xi32, #tpu.memory_space<vmem>> -> memref<1x96xi32, #tpu.memory_space<vmem>>
    %dma_start3A_177 = tpu.memref_squeeze %dma_start3A_176 : memref<1x96xi32, #tpu.memory_space<vmem>> -> memref<96xi32, #tpu.memory_space<vmem>>
    %dma_start3A_178 = arith.constant 0 : i32
    %dma_start3A_179 = arith.constant 0 : i32
    %dma_start3A_180 = tpu.memref_slice %arg3[%dma_start3A_178, %dma_start3A_179] : memref<1000000x64xf32, #tpu.memory_space<hbm>> -> memref<1000000x64xf32, #tpu.memory_space<hbm>>
    tpu.enqueue_indirect_dma source(%dma_start3A_180 : memref<1000000x64xf32, #tpu.memory_space<hbm>>) target(%dma_start3A_174 : memref<96x64xf32, #tpu.memory_space<vmem>>) offsets(%dma_start3A_177 : memref<96xi32, #tpu.memory_space<vmem>>) semaphore(%arg12 : memref<!tpu.dma_semaphore, #tpu.memory_space<semaphore_mem>>)
    %dma_start3A_181 = arith.constant 2 : i32
    %dma_start3A_182 = arith.constant 2 : i32
    %dma_start3A_183 = arith.constant 96 : i32
    %dma_start3A_184 = arith.constant 0 : i32
    %dma_start3A_185 = tpu.memref_slice %arg8[%dma_start3A_182, %dma_start3A_183, %dma_start3A_184] : memref<4x200x64xf32, #tpu.memory_space<vmem>> -> memref<1x104x64xf32, #tpu.memory_space<vmem>>
    %dma_start3A_186 = tpu.memref_squeeze %dma_start3A_185 : memref<1x104x64xf32, #tpu.memory_space<vmem>> -> memref<104x64xf32, #tpu.memory_space<vmem>>
    %dma_start3A_187 = arith.constant 96 : i32
    %dma_start3A_188 = tpu.memref_slice %arg6[%dma_start3A_181, %dma_start3A_187] : memref<4x200xi32, #tpu.memory_space<vmem>> -> memref<1x104xi32, #tpu.memory_space<vmem>>
    %dma_start3A_189 = tpu.memref_squeeze %dma_start3A_188 : memref<1x104xi32, #tpu.memory_space<vmem>> -> memref<104xi32, #tpu.memory_space<vmem>>
    %dma_start3A_190 = arith.constant 0 : i32
    %dma_start3A_191 = arith.constant 0 : i32
    %dma_start3A_192 = tpu.memref_slice %arg3[%dma_start3A_190, %dma_start3A_191] : memref<1000000x64xf32, #tpu.memory_space<hbm>> -> memref<1000000x64xf32, #tpu.memory_space<hbm>>
    tpu.enqueue_indirect_dma source(%dma_start3A_192 : memref<1000000x64xf32, #tpu.memory_space<hbm>>) target(%dma_start3A_186 : memref<104x64xf32, #tpu.memory_space<vmem>>) offsets(%dma_start3A_189 : memref<104xi32, #tpu.memory_space<vmem>>) semaphore(%arg12 : memref<!tpu.dma_semaphore, #tpu.memory_space<semaphore_mem>>)
    %dma_start3A_193 = arith.constant 3 : i32
    %dma_start3A_194 = arith.constant 3 : i32
    %dma_start3A_195 = arith.constant 0 : i32
    %dma_start3A_196 = arith.constant 0 : i32
    %dma_start3A_197 = tpu.memref_slice %arg8[%dma_start3A_194, %dma_start3A_195, %dma_start3A_196] : memref<4x200x64xf32, #tpu.memory_space<vmem>> -> memref<1x96x64xf32, #tpu.memory_space<vmem>>
    %dma_start3A_198 = tpu.memref_squeeze %dma_start3A_197 : memref<1x96x64xf32, #tpu.memory_space<vmem>> -> memref<96x64xf32, #tpu.memory_space<vmem>>
    %dma_start3A_199 = arith.constant 0 : i32
    %dma_start3A_200 = tpu.memref_slice %arg6[%dma_start3A_193, %dma_start3A_199] : memref<4x200xi32, #tpu.memory_space<vmem>> -> memref<1x96xi32, #tpu.memory_space<vmem>>
    %dma_start3A_201 = tpu.memref_squeeze %dma_start3A_200 : memref<1x96xi32, #tpu.memory_space<vmem>> -> memref<96xi32, #tpu.memory_space<vmem>>
    %dma_start3A_202 = arith.constant 0 : i32
    %dma_start3A_203 = arith.constant 0 : i32
    %dma_start3A_204 = tpu.memref_slice %arg3[%dma_start3A_202, %dma_start3A_203] : memref<1000000x64xf32, #tpu.memory_space<hbm>> -> memref<1000000x64xf32, #tpu.memory_space<hbm>>
    tpu.enqueue_indirect_dma source(%dma_start3A_204 : memref<1000000x64xf32, #tpu.memory_space<hbm>>) target(%dma_start3A_198 : memref<96x64xf32, #tpu.memory_space<vmem>>) offsets(%dma_start3A_201 : memref<96xi32, #tpu.memory_space<vmem>>) semaphore(%arg12 : memref<!tpu.dma_semaphore, #tpu.memory_space<semaphore_mem>>)
    %dma_start3A_205 = arith.constant 3 : i32
    %dma_start3A_206 = arith.constant 3 : i32
    %dma_start3A_207 = arith.constant 96 : i32
    %dma_start3A_208 = arith.constant 0 : i32
    %dma_start3A_209 = tpu.memref_slice %arg8[%dma_start3A_206, %dma_start3A_207, %dma_start3A_208] : memref<4x200x64xf32, #tpu.memory_space<vmem>> -> memref<1x104x64xf32, #tpu.memory_space<vmem>>
    %dma_start3A_210 = tpu.memref_squeeze %dma_start3A_209 : memref<1x104x64xf32, #tpu.memory_space<vmem>> -> memref<104x64xf32, #tpu.memory_space<vmem>>
    %dma_start3A_211 = arith.constant 96 : i32
    %dma_start3A_212 = tpu.memref_slice %arg6[%dma_start3A_205, %dma_start3A_211] : memref<4x200xi32, #tpu.memory_space<vmem>> -> memref<1x104xi32, #tpu.memory_space<vmem>>
    %dma_start3A_213 = tpu.memref_squeeze %dma_start3A_212 : memref<1x104xi32, #tpu.memory_space<vmem>> -> memref<104xi32, #tpu.memory_space<vmem>>
    %dma_start3A_214 = arith.constant 0 : i32
    %dma_start3A_215 = arith.constant 0 : i32
    %dma_start3A_216 = tpu.memref_slice %arg3[%dma_start3A_214, %dma_start3A_215] : memref<1000000x64xf32, #tpu.memory_space<hbm>> -> memref<1000000x64xf32, #tpu.memory_space<hbm>>
    tpu.enqueue_indirect_dma source(%dma_start3A_216 : memref<1000000x64xf32, #tpu.memory_space<hbm>>) target(%dma_start3A_210 : memref<104x64xf32, #tpu.memory_space<vmem>>) offsets(%dma_start3A_213 : memref<104xi32, #tpu.memory_space<vmem>>) semaphore(%arg12 : memref<!tpu.dma_semaphore, #tpu.memory_space<semaphore_mem>>)
    %dma_wait3A_217 = arith.constant 0 : i32
    %dma_wait3A_218 = arith.constant 0 : i32
    %dma_wait3A_219 = arith.constant 0 : i32
    %dma_wait3A_220 = tpu.memref_slice %arg4[%dma_wait3A_217, %dma_wait3A_218, %dma_wait3A_219] : memref<16384x200x64xf32, #tpu.memory_space<hbm>> -> memref<4x200x64xf32, #tpu.memory_space<hbm>>
    %dma_wait3A_221 = arith.constant 0 : i32
    %dma_wait3A_222 = arith.constant 0 : i32
    %dma_wait3A_223 = arith.constant 0 : i32
    %dma_wait3A_224 = tpu.memref_slice %arg4[%dma_wait3A_221, %dma_wait3A_222, %dma_wait3A_223] : memref<16384x200x64xf32, #tpu.memory_space<hbm>> -> memref<4x200x64xf32, #tpu.memory_space<hbm>>
    tpu.wait_dma2 semaphore(%arg11 : memref<!tpu.dma_semaphore, #tpu.memory_space<semaphore_mem>>) src(%dma_wait3A_224 : memref<4x200x64xf32, #tpu.memory_space<hbm>>) dst(%arg7 : memref<4x200x64xf32, #tpu.memory_space<vmem>>)
    %add3A_225 = arith.constant 0 : i32
    %add3A_226 = arith.addi %mul3A_2, %add3A_225 : i32
    %dma_start3A_227 = arith.constant 0 : i32
    %dma_start3A_228 = arith.constant 0 : i32
    %dma_start3A_229 = tpu.memref_slice %arg4[%add3A_226, %dma_start3A_227, %dma_start3A_228] : memref<16384x200x64xf32, #tpu.memory_space<hbm>> -> memref<4x200x64xf32, #tpu.memory_space<hbm>>
    %dma_start3A_230 = arith.constant 0 : i32
    %dma_start3A_231 = arith.constant 0 : i32
    %dma_start3A_232 = tpu.memref_slice %arg4[%add3A_226, %dma_start3A_230, %dma_start3A_231] : memref<16384x200x64xf32, #tpu.memory_space<hbm>> -> memref<4x200x64xf32, #tpu.memory_space<hbm>>
    tpu.enqueue_dma source(%arg7 : memref<4x200x64xf32, #tpu.memory_space<vmem>>) target(%dma_start3A_232 : memref<4x200x64xf32, #tpu.memory_space<hbm>>) target_semaphore(%arg13 : memref<!tpu.dma_semaphore, #tpu.memory_space<semaphore_mem>>)
    %add3A_233 = arith.constant 8 : i32
    %add3A_234 = arith.addi %mul3A_2, %add3A_233 : i32
    %dma_start3A_235 = arith.constant 0 : i32
    %dma_start3A_236 = tpu.memref_slice %arg2[%add3A_234, %dma_start3A_235] : memref<16384x200xi32, #tpu.memory_space<hbm>> -> memref<4x200xi32, #tpu.memory_space<hbm>>
    %dma_start3A_237 = arith.constant 0 : i32
    %dma_start3A_238 = tpu.memref_slice %arg2[%add3A_234, %dma_start3A_237] : memref<16384x200xi32, #tpu.memory_space<hbm>> -> memref<4x200xi32, #tpu.memory_space<hbm>>
    tpu.enqueue_dma source(%dma_start3A_238 : memref<4x200xi32, #tpu.memory_space<hbm>>) target(%arg5 : memref<4x200xi32, #tpu.memory_space<vmem>>) target_semaphore(%arg9 : memref<!tpu.dma_semaphore, #tpu.memory_space<semaphore_mem>>)
    %scan3A = arith.constant 0 : i32
    %scan3A_239 = arith.constant 63 : i32
    %scan3A_240 = arith.addi %scan3A, %scan3A_239 : i32
    %scan3A_241 = arith.constant 1 : i32
    scf.for %scan3A_281 = %scan3A to %scan3A_240 step %scan3A_241  : i32 {
      %mul3A_282 = arith.constant 2 : i32
      %mul3A_283 = arith.muli %scan3A_281, %mul3A_282 : i32
      %add3A_284 = arith.constant 1 : i32
      %add3A_285 = arith.addi %add3A_284, %mul3A_283 : i32
      %add3A_286 = arith.constant 0 : i32
      %add3A_287 = arith.addi %add3A_285, %add3A_286 : i32
      %dma_wait3A_288 = arith.constant 0 : i32
      %dma_wait3A_289 = arith.constant 0 : i32
      %dma_wait3A_290 = arith.constant 0 : i32
      %dma_wait3A_291 = tpu.memref_slice %arg4[%dma_wait3A_288, %dma_wait3A_289, %dma_wait3A_290] : memref<16384x200x64xf32, #tpu.memory_space<hbm>> -> memref<4x200x64xf32, #tpu.memory_space<hbm>>
      %dma_wait3A_292 = arith.constant 0 : i32
      %dma_wait3A_293 = arith.constant 0 : i32
      %dma_wait3A_294 = arith.constant 0 : i32
      %dma_wait3A_295 = tpu.memref_slice %arg4[%dma_wait3A_292, %dma_wait3A_293, %dma_wait3A_294] : memref<16384x200x64xf32, #tpu.memory_space<hbm>> -> memref<4x200x64xf32, #tpu.memory_space<hbm>>
      tpu.wait_dma2 semaphore(%arg13 : memref<!tpu.dma_semaphore, #tpu.memory_space<semaphore_mem>>) src(%arg7 : memref<4x200x64xf32, #tpu.memory_space<vmem>>) dst(%dma_wait3A_295 : memref<4x200x64xf32, #tpu.memory_space<hbm>>)
      %dma_wait3A_296 = arith.constant 0 : i32
      %dma_wait3A_297 = arith.constant 0 : i32
      %dma_wait3A_298 = tpu.memref_slice %arg2[%dma_wait3A_296, %dma_wait3A_297] : memref<16384x200xi32, #tpu.memory_space<hbm>> -> memref<4x200xi32, #tpu.memory_space<hbm>>
      %dma_wait3A_299 = arith.constant 0 : i32
      %dma_wait3A_300 = arith.constant 0 : i32
      %dma_wait3A_301 = tpu.memref_slice %arg2[%dma_wait3A_299, %dma_wait3A_300] : memref<16384x200xi32, #tpu.memory_space<hbm>> -> memref<4x200xi32, #tpu.memory_space<hbm>>
      tpu.wait_dma2 semaphore(%arg9 : memref<!tpu.dma_semaphore, #tpu.memory_space<semaphore_mem>>) src(%dma_wait3A_301 : memref<4x200xi32, #tpu.memory_space<hbm>>) dst(%arg5 : memref<4x200xi32, #tpu.memory_space<vmem>>)
      %dma_start3A_302 = arith.constant 0 : i32
      %dma_start3A_303 = arith.constant 0 : i32
      %dma_start3A_304 = arith.constant 0 : i32
      %dma_start3A_305 = arith.constant 0 : i32
      %dma_start3A_306 = tpu.memref_slice %arg7[%dma_start3A_303, %dma_start3A_304, %dma_start3A_305] : memref<4x200x64xf32, #tpu.memory_space<vmem>> -> memref<1x96x64xf32, #tpu.memory_space<vmem>>
      %dma_start3A_307 = tpu.memref_squeeze %dma_start3A_306 : memref<1x96x64xf32, #tpu.memory_space<vmem>> -> memref<96x64xf32, #tpu.memory_space<vmem>>
      %dma_start3A_308 = arith.constant 0 : i32
      %dma_start3A_309 = tpu.memref_slice %arg5[%dma_start3A_302, %dma_start3A_308] : memref<4x200xi32, #tpu.memory_space<vmem>> -> memref<1x96xi32, #tpu.memory_space<vmem>>
      %dma_start3A_310 = tpu.memref_squeeze %dma_start3A_309 : memref<1x96xi32, #tpu.memory_space<vmem>> -> memref<96xi32, #tpu.memory_space<vmem>>
      %dma_start3A_311 = arith.constant 0 : i32
      %dma_start3A_312 = arith.constant 0 : i32
      %dma_start3A_313 = tpu.memref_slice %arg3[%dma_start3A_311, %dma_start3A_312] : memref<1000000x64xf32, #tpu.memory_space<hbm>> -> memref<1000000x64xf32, #tpu.memory_space<hbm>>
      tpu.enqueue_indirect_dma source(%dma_start3A_313 : memref<1000000x64xf32, #tpu.memory_space<hbm>>) target(%dma_start3A_307 : memref<96x64xf32, #tpu.memory_space<vmem>>) offsets(%dma_start3A_310 : memref<96xi32, #tpu.memory_space<vmem>>) semaphore(%arg11 : memref<!tpu.dma_semaphore, #tpu.memory_space<semaphore_mem>>)
      %dma_start3A_314 = arith.constant 0 : i32
      %dma_start3A_315 = arith.constant 0 : i32
      %dma_start3A_316 = arith.constant 96 : i32
      %dma_start3A_317 = arith.constant 0 : i32
      %dma_start3A_318 = tpu.memref_slice %arg7[%dma_start3A_315, %dma_start3A_316, %dma_start3A_317] : memref<4x200x64xf32, #tpu.memory_space<vmem>> -> memref<1x104x64xf32, #tpu.memory_space<vmem>>
      %dma_start3A_319 = tpu.memref_squeeze %dma_start3A_318 : memref<1x104x64xf32, #tpu.memory_space<vmem>> -> memref<104x64xf32, #tpu.memory_space<vmem>>
      %dma_start3A_320 = arith.constant 96 : i32
      %dma_start3A_321 = tpu.memref_slice %arg5[%dma_start3A_314, %dma_start3A_320] : memref<4x200xi32, #tpu.memory_space<vmem>> -> memref<1x104xi32, #tpu.memory_space<vmem>>
      %dma_start3A_322 = tpu.memref_squeeze %dma_start3A_321 : memref<1x104xi32, #tpu.memory_space<vmem>> -> memref<104xi32, #tpu.memory_space<vmem>>
      %dma_start3A_323 = arith.constant 0 : i32
      %dma_start3A_324 = arith.constant 0 : i32
      %dma_start3A_325 = tpu.memref_slice %arg3[%dma_start3A_323, %dma_start3A_324] : memref<1000000x64xf32, #tpu.memory_space<hbm>> -> memref<1000000x64xf32, #tpu.memory_space<hbm>>
      tpu.enqueue_indirect_dma source(%dma_start3A_325 : memref<1000000x64xf32, #tpu.memory_space<hbm>>) target(%dma_start3A_319 : memref<104x64xf32, #tpu.memory_space<vmem>>) offsets(%dma_start3A_322 : memref<104xi32, #tpu.memory_space<vmem>>) semaphore(%arg11 : memref<!tpu.dma_semaphore, #tpu.memory_space<semaphore_mem>>)
      %dma_start3A_326 = arith.constant 1 : i32
      %dma_start3A_327 = arith.constant 1 : i32
      %dma_start3A_328 = arith.constant 0 : i32
      %dma_start3A_329 = arith.constant 0 : i32
      %dma_start3A_330 = tpu.memref_slice %arg7[%dma_start3A_327, %dma_start3A_328, %dma_start3A_329] : memref<4x200x64xf32, #tpu.memory_space<vmem>> -> memref<1x96x64xf32, #tpu.memory_space<vmem>>
      %dma_start3A_331 = tpu.memref_squeeze %dma_start3A_330 : memref<1x96x64xf32, #tpu.memory_space<vmem>> -> memref<96x64xf32, #tpu.memory_space<vmem>>
      %dma_start3A_332 = arith.constant 0 : i32
      %dma_start3A_333 = tpu.memref_slice %arg5[%dma_start3A_326, %dma_start3A_332] : memref<4x200xi32, #tpu.memory_space<vmem>> -> memref<1x96xi32, #tpu.memory_space<vmem>>
      %dma_start3A_334 = tpu.memref_squeeze %dma_start3A_333 : memref<1x96xi32, #tpu.memory_space<vmem>> -> memref<96xi32, #tpu.memory_space<vmem>>
      %dma_start3A_335 = arith.constant 0 : i32
      %dma_start3A_336 = arith.constant 0 : i32
      %dma_start3A_337 = tpu.memref_slice %arg3[%dma_start3A_335, %dma_start3A_336] : memref<1000000x64xf32, #tpu.memory_space<hbm>> -> memref<1000000x64xf32, #tpu.memory_space<hbm>>
      tpu.enqueue_indirect_dma source(%dma_start3A_337 : memref<1000000x64xf32, #tpu.memory_space<hbm>>) target(%dma_start3A_331 : memref<96x64xf32, #tpu.memory_space<vmem>>) offsets(%dma_start3A_334 : memref<96xi32, #tpu.memory_space<vmem>>) semaphore(%arg11 : memref<!tpu.dma_semaphore, #tpu.memory_space<semaphore_mem>>)
      %dma_start3A_338 = arith.constant 1 : i32
      %dma_start3A_339 = arith.constant 1 : i32
      %dma_start3A_340 = arith.constant 96 : i32
      %dma_start3A_341 = arith.constant 0 : i32
      %dma_start3A_342 = tpu.memref_slice %arg7[%dma_start3A_339, %dma_start3A_340, %dma_start3A_341] : memref<4x200x64xf32, #tpu.memory_space<vmem>> -> memref<1x104x64xf32, #tpu.memory_space<vmem>>
      %dma_start3A_343 = tpu.memref_squeeze %dma_start3A_342 : memref<1x104x64xf32, #tpu.memory_space<vmem>> -> memref<104x64xf32, #tpu.memory_space<vmem>>
      %dma_start3A_344 = arith.constant 96 : i32
      %dma_start3A_345 = tpu.memref_slice %arg5[%dma_start3A_338, %dma_start3A_344] : memref<4x200xi32, #tpu.memory_space<vmem>> -> memref<1x104xi32, #tpu.memory_space<vmem>>
      %dma_start3A_346 = tpu.memref_squeeze %dma_start3A_345 : memref<1x104xi32, #tpu.memory_space<vmem>> -> memref<104xi32, #tpu.memory_space<vmem>>
      %dma_start3A_347 = arith.constant 0 : i32
      %dma_start3A_348 = arith.constant 0 : i32
      %dma_start3A_349 = tpu.memref_slice %arg3[%dma_start3A_347, %dma_start3A_348] : memref<1000000x64xf32, #tpu.memory_space<hbm>> -> memref<1000000x64xf32, #tpu.memory_space<hbm>>
      tpu.enqueue_indirect_dma source(%dma_start3A_349 : memref<1000000x64xf32, #tpu.memory_space<hbm>>) target(%dma_start3A_343 : memref<104x64xf32, #tpu.memory_space<vmem>>) offsets(%dma_start3A_346 : memref<104xi32, #tpu.memory_space<vmem>>) semaphore(%arg11 : memref<!tpu.dma_semaphore, #tpu.memory_space<semaphore_mem>>)
      %dma_start3A_350 = arith.constant 2 : i32
      %dma_start3A_351 = arith.constant 2 : i32
      %dma_start3A_352 = arith.constant 0 : i32
      %dma_start3A_353 = arith.constant 0 : i32
      %dma_start3A_354 = tpu.memref_slice %arg7[%dma_start3A_351, %dma_start3A_352, %dma_start3A_353] : memref<4x200x64xf32, #tpu.memory_space<vmem>> -> memref<1x96x64xf32, #tpu.memory_space<vmem>>
      %dma_start3A_355 = tpu.memref_squeeze %dma_start3A_354 : memref<1x96x64xf32, #tpu.memory_space<vmem>> -> memref<96x64xf32, #tpu.memory_space<vmem>>
      %dma_start3A_356 = arith.constant 0 : i32
      %dma_start3A_357 = tpu.memref_slice %arg5[%dma_start3A_350, %dma_start3A_356] : memref<4x200xi32, #tpu.memory_space<vmem>> -> memref<1x96xi32, #tpu.memory_space<vmem>>
      %dma_start3A_358 = tpu.memref_squeeze %dma_start3A_357 : memref<1x96xi32, #tpu.memory_space<vmem>> -> memref<96xi32, #tpu.memory_space<vmem>>
      %dma_start3A_359 = arith.constant 0 : i32
      %dma_start3A_360 = arith.constant 0 : i32
      %dma_start3A_361 = tpu.memref_slice %arg3[%dma_start3A_359, %dma_start3A_360] : memref<1000000x64xf32, #tpu.memory_space<hbm>> -> memref<1000000x64xf32, #tpu.memory_space<hbm>>
      tpu.enqueue_indirect_dma source(%dma_start3A_361 : memref<1000000x64xf32, #tpu.memory_space<hbm>>) target(%dma_start3A_355 : memref<96x64xf32, #tpu.memory_space<vmem>>) offsets(%dma_start3A_358 : memref<96xi32, #tpu.memory_space<vmem>>) semaphore(%arg11 : memref<!tpu.dma_semaphore, #tpu.memory_space<semaphore_mem>>)
      %dma_start3A_362 = arith.constant 2 : i32
      %dma_start3A_363 = arith.constant 2 : i32
      %dma_start3A_364 = arith.constant 96 : i32
      %dma_start3A_365 = arith.constant 0 : i32
      %dma_start3A_366 = tpu.memref_slice %arg7[%dma_start3A_363, %dma_start3A_364, %dma_start3A_365] : memref<4x200x64xf32, #tpu.memory_space<vmem>> -> memref<1x104x64xf32, #tpu.memory_space<vmem>>
      %dma_start3A_367 = tpu.memref_squeeze %dma_start3A_366 : memref<1x104x64xf32, #tpu.memory_space<vmem>> -> memref<104x64xf32, #tpu.memory_space<vmem>>
      %dma_start3A_368 = arith.constant 96 : i32
      %dma_start3A_369 = tpu.memref_slice %arg5[%dma_start3A_362, %dma_start3A_368] : memref<4x200xi32, #tpu.memory_space<vmem>> -> memref<1x104xi32, #tpu.memory_space<vmem>>
      %dma_start3A_370 = tpu.memref_squeeze %dma_start3A_369 : memref<1x104xi32, #tpu.memory_space<vmem>> -> memref<104xi32, #tpu.memory_space<vmem>>
      %dma_start3A_371 = arith.constant 0 : i32
      %dma_start3A_372 = arith.constant 0 : i32
      %dma_start3A_373 = tpu.memref_slice %arg3[%dma_start3A_371, %dma_start3A_372] : memref<1000000x64xf32, #tpu.memory_space<hbm>> -> memref<1000000x64xf32, #tpu.memory_space<hbm>>
      tpu.enqueue_indirect_dma source(%dma_start3A_373 : memref<1000000x64xf32, #tpu.memory_space<hbm>>) target(%dma_start3A_367 : memref<104x64xf32, #tpu.memory_space<vmem>>) offsets(%dma_start3A_370 : memref<104xi32, #tpu.memory_space<vmem>>) semaphore(%arg11 : memref<!tpu.dma_semaphore, #tpu.memory_space<semaphore_mem>>)
      %dma_start3A_374 = arith.constant 3 : i32
      %dma_start3A_375 = arith.constant 3 : i32
      %dma_start3A_376 = arith.constant 0 : i32
      %dma_start3A_377 = arith.constant 0 : i32
      %dma_start3A_378 = tpu.memref_slice %arg7[%dma_start3A_375, %dma_start3A_376, %dma_start3A_377] : memref<4x200x64xf32, #tpu.memory_space<vmem>> -> memref<1x96x64xf32, #tpu.memory_space<vmem>>
      %dma_start3A_379 = tpu.memref_squeeze %dma_start3A_378 : memref<1x96x64xf32, #tpu.memory_space<vmem>> -> memref<96x64xf32, #tpu.memory_space<vmem>>
      %dma_start3A_380 = arith.constant 0 : i32
      %dma_start3A_381 = tpu.memref_slice %arg5[%dma_start3A_374, %dma_start3A_380] : memref<4x200xi32, #tpu.memory_space<vmem>> -> memref<1x96xi32, #tpu.memory_space<vmem>>
      %dma_start3A_382 = tpu.memref_squeeze %dma_start3A_381 : memref<1x96xi32, #tpu.memory_space<vmem>> -> memref<96xi32, #tpu.memory_space<vmem>>
      %dma_start3A_383 = arith.constant 0 : i32
      %dma_start3A_384 = arith.constant 0 : i32
      %dma_start3A_385 = tpu.memref_slice %arg3[%dma_start3A_383, %dma_start3A_384] : memref<1000000x64xf32, #tpu.memory_space<hbm>> -> memref<1000000x64xf32, #tpu.memory_space<hbm>>
      tpu.enqueue_indirect_dma source(%dma_start3A_385 : memref<1000000x64xf32, #tpu.memory_space<hbm>>) target(%dma_start3A_379 : memref<96x64xf32, #tpu.memory_space<vmem>>) offsets(%dma_start3A_382 : memref<96xi32, #tpu.memory_space<vmem>>) semaphore(%arg11 : memref<!tpu.dma_semaphore, #tpu.memory_space<semaphore_mem>>)
      %dma_start3A_386 = arith.constant 3 : i32
      %dma_start3A_387 = arith.constant 3 : i32
      %dma_start3A_388 = arith.constant 96 : i32
      %dma_start3A_389 = arith.constant 0 : i32
      %dma_start3A_390 = tpu.memref_slice %arg7[%dma_start3A_387, %dma_start3A_388, %dma_start3A_389] : memref<4x200x64xf32, #tpu.memory_space<vmem>> -> memref<1x104x64xf32, #tpu.memory_space<vmem>>
      %dma_start3A_391 = tpu.memref_squeeze %dma_start3A_390 : memref<1x104x64xf32, #tpu.memory_space<vmem>> -> memref<104x64xf32, #tpu.memory_space<vmem>>
      %dma_start3A_392 = arith.constant 96 : i32
      %dma_start3A_393 = tpu.memref_slice %arg5[%dma_start3A_386, %dma_start3A_392] : memref<4x200xi32, #tpu.memory_space<vmem>> -> memref<1x104xi32, #tpu.memory_space<vmem>>
      %dma_start3A_394 = tpu.memref_squeeze %dma_start3A_393 : memref<1x104xi32, #tpu.memory_space<vmem>> -> memref<104xi32, #tpu.memory_space<vmem>>
      %dma_start3A_395 = arith.constant 0 : i32
      %dma_start3A_396 = arith.constant 0 : i32
      %dma_start3A_397 = tpu.memref_slice %arg3[%dma_start3A_395, %dma_start3A_396] : memref<1000000x64xf32, #tpu.memory_space<hbm>> -> memref<1000000x64xf32, #tpu.memory_space<hbm>>
      tpu.enqueue_indirect_dma source(%dma_start3A_397 : memref<1000000x64xf32, #tpu.memory_space<hbm>>) target(%dma_start3A_391 : memref<104x64xf32, #tpu.memory_space<vmem>>) offsets(%dma_start3A_394 : memref<104xi32, #tpu.memory_space<vmem>>) semaphore(%arg11 : memref<!tpu.dma_semaphore, #tpu.memory_space<semaphore_mem>>)
      %dma_wait3A_398 = arith.constant 0 : i32
      %dma_wait3A_399 = arith.constant 0 : i32
      %dma_wait3A_400 = arith.constant 0 : i32
      %dma_wait3A_401 = tpu.memref_slice %arg4[%dma_wait3A_398, %dma_wait3A_399, %dma_wait3A_400] : memref<16384x200x64xf32, #tpu.memory_space<hbm>> -> memref<4x200x64xf32, #tpu.memory_space<hbm>>
      %dma_wait3A_402 = arith.constant 0 : i32
      %dma_wait3A_403 = arith.constant 0 : i32
      %dma_wait3A_404 = arith.constant 0 : i32
      %dma_wait3A_405 = tpu.memref_slice %arg4[%dma_wait3A_402, %dma_wait3A_403, %dma_wait3A_404] : memref<16384x200x64xf32, #tpu.memory_space<hbm>> -> memref<4x200x64xf32, #tpu.memory_space<hbm>>
      tpu.wait_dma2 semaphore(%arg12 : memref<!tpu.dma_semaphore, #tpu.memory_space<semaphore_mem>>) src(%dma_wait3A_405 : memref<4x200x64xf32, #tpu.memory_space<hbm>>) dst(%arg8 : memref<4x200x64xf32, #tpu.memory_space<vmem>>)
      %mul3A_406 = arith.constant 4 : i32
      %mul3A_407 = arith.muli %add3A_287, %mul3A_406 : i32
      %add3A_408 = arith.addi %mul3A_2, %mul3A_407 : i32
      %dma_start3A_409 = arith.constant 0 : i32
      %dma_start3A_410 = arith.constant 0 : i32
      %dma_start3A_411 = tpu.memref_slice %arg4[%add3A_408, %dma_start3A_409, %dma_start3A_410] : memref<16384x200x64xf32, #tpu.memory_space<hbm>> -> memref<4x200x64xf32, #tpu.memory_space<hbm>>
      %dma_start3A_412 = arith.constant 0 : i32
      %dma_start3A_413 = arith.constant 0 : i32
      %dma_start3A_414 = tpu.memref_slice %arg4[%add3A_408, %dma_start3A_412, %dma_start3A_413] : memref<16384x200x64xf32, #tpu.memory_space<hbm>> -> memref<4x200x64xf32, #tpu.memory_space<hbm>>
      tpu.enqueue_dma source(%arg8 : memref<4x200x64xf32, #tpu.memory_space<vmem>>) target(%dma_start3A_414 : memref<4x200x64xf32, #tpu.memory_space<hbm>>) target_semaphore(%arg14 : memref<!tpu.dma_semaphore, #tpu.memory_space<semaphore_mem>>)
      %add3A_415 = arith.constant 2 : i32
      %add3A_416 = arith.addi %add3A_287, %add3A_415 : i32
      %min3A = arith.constant 127 : i32
      %min3A_417 = arith.minsi %add3A_416, %min3A : i32
      %mul3A_418 = arith.constant 4 : i32
      %mul3A_419 = arith.muli %min3A_417, %mul3A_418 : i32
      %add3A_420 = arith.addi %mul3A_2, %mul3A_419 : i32
      %dma_start3A_421 = arith.constant 0 : i32
      %dma_start3A_422 = tpu.memref_slice %arg2[%add3A_420, %dma_start3A_421] : memref<16384x200xi32, #tpu.memory_space<hbm>> -> memref<4x200xi32, #tpu.memory_space<hbm>>
      %dma_start3A_423 = arith.constant 0 : i32
      %dma_start3A_424 = tpu.memref_slice %arg2[%add3A_420, %dma_start3A_423] : memref<16384x200xi32, #tpu.memory_space<hbm>> -> memref<4x200xi32, #tpu.memory_space<hbm>>
      tpu.enqueue_dma source(%dma_start3A_424 : memref<4x200xi32, #tpu.memory_space<hbm>>) target(%arg6 : memref<4x200xi32, #tpu.memory_space<vmem>>) target_semaphore(%arg10 : memref<!tpu.dma_semaphore, #tpu.memory_space<semaphore_mem>>)
      %add3A_425 = arith.constant 1 : i32
      %add3A_426 = arith.addi %add3A_285, %add3A_425 : i32
      %dma_wait3A_427 = arith.constant 0 : i32
      %dma_wait3A_428 = arith.constant 0 : i32
      %dma_wait3A_429 = arith.constant 0 : i32
      %dma_wait3A_430 = tpu.memref_slice %arg4[%dma_wait3A_427, %dma_wait3A_428, %dma_wait3A_429] : memref<16384x200x64xf32, #tpu.memory_space<hbm>> -> memref<4x200x64xf32, #tpu.memory_space<hbm>>
      %dma_wait3A_431 = arith.constant 0 : i32
      %dma_wait3A_432 = arith.constant 0 : i32
      %dma_wait3A_433 = arith.constant 0 : i32
      %dma_wait3A_434 = tpu.memref_slice %arg4[%dma_wait3A_431, %dma_wait3A_432, %dma_wait3A_433] : memref<16384x200x64xf32, #tpu.memory_space<hbm>> -> memref<4x200x64xf32, #tpu.memory_space<hbm>>
      tpu.wait_dma2 semaphore(%arg14 : memref<!tpu.dma_semaphore, #tpu.memory_space<semaphore_mem>>) src(%arg8 : memref<4x200x64xf32, #tpu.memory_space<vmem>>) dst(%dma_wait3A_434 : memref<4x200x64xf32, #tpu.memory_space<hbm>>)
      %dma_wait3A_435 = arith.constant 0 : i32
      %dma_wait3A_436 = arith.constant 0 : i32
      %dma_wait3A_437 = tpu.memref_slice %arg2[%dma_wait3A_435, %dma_wait3A_436] : memref<16384x200xi32, #tpu.memory_space<hbm>> -> memref<4x200xi32, #tpu.memory_space<hbm>>
      %dma_wait3A_438 = arith.constant 0 : i32
      %dma_wait3A_439 = arith.constant 0 : i32
      %dma_wait3A_440 = tpu.memref_slice %arg2[%dma_wait3A_438, %dma_wait3A_439] : memref<16384x200xi32, #tpu.memory_space<hbm>> -> memref<4x200xi32, #tpu.memory_space<hbm>>
      tpu.wait_dma2 semaphore(%arg10 : memref<!tpu.dma_semaphore, #tpu.memory_space<semaphore_mem>>) src(%dma_wait3A_440 : memref<4x200xi32, #tpu.memory_space<hbm>>) dst(%arg6 : memref<4x200xi32, #tpu.memory_space<vmem>>)
      %dma_start3A_441 = arith.constant 0 : i32
      %dma_start3A_442 = arith.constant 0 : i32
      %dma_start3A_443 = arith.constant 0 : i32
      %dma_start3A_444 = arith.constant 0 : i32
      %dma_start3A_445 = tpu.memref_slice %arg8[%dma_start3A_442, %dma_start3A_443, %dma_start3A_444] : memref<4x200x64xf32, #tpu.memory_space<vmem>> -> memref<1x96x64xf32, #tpu.memory_space<vmem>>
      %dma_start3A_446 = tpu.memref_squeeze %dma_start3A_445 : memref<1x96x64xf32, #tpu.memory_space<vmem>> -> memref<96x64xf32, #tpu.memory_space<vmem>>
      %dma_start3A_447 = arith.constant 0 : i32
      %dma_start3A_448 = tpu.memref_slice %arg6[%dma_start3A_441, %dma_start3A_447] : memref<4x200xi32, #tpu.memory_space<vmem>> -> memref<1x96xi32, #tpu.memory_space<vmem>>
      %dma_start3A_449 = tpu.memref_squeeze %dma_start3A_448 : memref<1x96xi32, #tpu.memory_space<vmem>> -> memref<96xi32, #tpu.memory_space<vmem>>
      %dma_start3A_450 = arith.constant 0 : i32
      %dma_start3A_451 = arith.constant 0 : i32
      %dma_start3A_452 = tpu.memref_slice %arg3[%dma_start3A_450, %dma_start3A_451] : memref<1000000x64xf32, #tpu.memory_space<hbm>> -> memref<1000000x64xf32, #tpu.memory_space<hbm>>
      tpu.enqueue_indirect_dma source(%dma_start3A_452 : memref<1000000x64xf32, #tpu.memory_space<hbm>>) target(%dma_start3A_446 : memref<96x64xf32, #tpu.memory_space<vmem>>) offsets(%dma_start3A_449 : memref<96xi32, #tpu.memory_space<vmem>>) semaphore(%arg12 : memref<!tpu.dma_semaphore, #tpu.memory_space<semaphore_mem>>)
      %dma_start3A_453 = arith.constant 0 : i32
      %dma_start3A_454 = arith.constant 0 : i32
      %dma_start3A_455 = arith.constant 96 : i32
      %dma_start3A_456 = arith.constant 0 : i32
      %dma_start3A_457 = tpu.memref_slice %arg8[%dma_start3A_454, %dma_start3A_455, %dma_start3A_456] : memref<4x200x64xf32, #tpu.memory_space<vmem>> -> memref<1x104x64xf32, #tpu.memory_space<vmem>>
      %dma_start3A_458 = tpu.memref_squeeze %dma_start3A_457 : memref<1x104x64xf32, #tpu.memory_space<vmem>> -> memref<104x64xf32, #tpu.memory_space<vmem>>
      %dma_start3A_459 = arith.constant 96 : i32
      %dma_start3A_460 = tpu.memref_slice %arg6[%dma_start3A_453, %dma_start3A_459] : memref<4x200xi32, #tpu.memory_space<vmem>> -> memref<1x104xi32, #tpu.memory_space<vmem>>
      %dma_start3A_461 = tpu.memref_squeeze %dma_start3A_460 : memref<1x104xi32, #tpu.memory_space<vmem>> -> memref<104xi32, #tpu.memory_space<vmem>>
      %dma_start3A_462 = arith.constant 0 : i32
      %dma_start3A_463 = arith.constant 0 : i32
      %dma_start3A_464 = tpu.memref_slice %arg3[%dma_start3A_462, %dma_start3A_463] : memref<1000000x64xf32, #tpu.memory_space<hbm>> -> memref<1000000x64xf32, #tpu.memory_space<hbm>>
      tpu.enqueue_indirect_dma source(%dma_start3A_464 : memref<1000000x64xf32, #tpu.memory_space<hbm>>) target(%dma_start3A_458 : memref<104x64xf32, #tpu.memory_space<vmem>>) offsets(%dma_start3A_461 : memref<104xi32, #tpu.memory_space<vmem>>) semaphore(%arg12 : memref<!tpu.dma_semaphore, #tpu.memory_space<semaphore_mem>>)
      %dma_start3A_465 = arith.constant 1 : i32
      %dma_start3A_466 = arith.constant 1 : i32
      %dma_start3A_467 = arith.constant 0 : i32
      %dma_start3A_468 = arith.constant 0 : i32
      %dma_start3A_469 = tpu.memref_slice %arg8[%dma_start3A_466, %dma_start3A_467, %dma_start3A_468] : memref<4x200x64xf32, #tpu.memory_space<vmem>> -> memref<1x96x64xf32, #tpu.memory_space<vmem>>
      %dma_start3A_470 = tpu.memref_squeeze %dma_start3A_469 : memref<1x96x64xf32, #tpu.memory_space<vmem>> -> memref<96x64xf32, #tpu.memory_space<vmem>>
      %dma_start3A_471 = arith.constant 0 : i32
      %dma_start3A_472 = tpu.memref_slice %arg6[%dma_start3A_465, %dma_start3A_471] : memref<4x200xi32, #tpu.memory_space<vmem>> -> memref<1x96xi32, #tpu.memory_space<vmem>>
      %dma_start3A_473 = tpu.memref_squeeze %dma_start3A_472 : memref<1x96xi32, #tpu.memory_space<vmem>> -> memref<96xi32, #tpu.memory_space<vmem>>
      %dma_start3A_474 = arith.constant 0 : i32
      %dma_start3A_475 = arith.constant 0 : i32
      %dma_start3A_476 = tpu.memref_slice %arg3[%dma_start3A_474, %dma_start3A_475] : memref<1000000x64xf32, #tpu.memory_space<hbm>> -> memref<1000000x64xf32, #tpu.memory_space<hbm>>
      tpu.enqueue_indirect_dma source(%dma_start3A_476 : memref<1000000x64xf32, #tpu.memory_space<hbm>>) target(%dma_start3A_470 : memref<96x64xf32, #tpu.memory_space<vmem>>) offsets(%dma_start3A_473 : memref<96xi32, #tpu.memory_space<vmem>>) semaphore(%arg12 : memref<!tpu.dma_semaphore, #tpu.memory_space<semaphore_mem>>)
      %dma_start3A_477 = arith.constant 1 : i32
      %dma_start3A_478 = arith.constant 1 : i32
      %dma_start3A_479 = arith.constant 96 : i32
      %dma_start3A_480 = arith.constant 0 : i32
      %dma_start3A_481 = tpu.memref_slice %arg8[%dma_start3A_478, %dma_start3A_479, %dma_start3A_480] : memref<4x200x64xf32, #tpu.memory_space<vmem>> -> memref<1x104x64xf32, #tpu.memory_space<vmem>>
      %dma_start3A_482 = tpu.memref_squeeze %dma_start3A_481 : memref<1x104x64xf32, #tpu.memory_space<vmem>> -> memref<104x64xf32, #tpu.memory_space<vmem>>
      %dma_start3A_483 = arith.constant 96 : i32
      %dma_start3A_484 = tpu.memref_slice %arg6[%dma_start3A_477, %dma_start3A_483] : memref<4x200xi32, #tpu.memory_space<vmem>> -> memref<1x104xi32, #tpu.memory_space<vmem>>
      %dma_start3A_485 = tpu.memref_squeeze %dma_start3A_484 : memref<1x104xi32, #tpu.memory_space<vmem>> -> memref<104xi32, #tpu.memory_space<vmem>>
      %dma_start3A_486 = arith.constant 0 : i32
      %dma_start3A_487 = arith.constant 0 : i32
      %dma_start3A_488 = tpu.memref_slice %arg3[%dma_start3A_486, %dma_start3A_487] : memref<1000000x64xf32, #tpu.memory_space<hbm>> -> memref<1000000x64xf32, #tpu.memory_space<hbm>>
      tpu.enqueue_indirect_dma source(%dma_start3A_488 : memref<1000000x64xf32, #tpu.memory_space<hbm>>) target(%dma_start3A_482 : memref<104x64xf32, #tpu.memory_space<vmem>>) offsets(%dma_start3A_485 : memref<104xi32, #tpu.memory_space<vmem>>) semaphore(%arg12 : memref<!tpu.dma_semaphore, #tpu.memory_space<semaphore_mem>>)
      %dma_start3A_489 = arith.constant 2 : i32
      %dma_start3A_490 = arith.constant 2 : i32
      %dma_start3A_491 = arith.constant 0 : i32
      %dma_start3A_492 = arith.constant 0 : i32
      %dma_start3A_493 = tpu.memref_slice %arg8[%dma_start3A_490, %dma_start3A_491, %dma_start3A_492] : memref<4x200x64xf32, #tpu.memory_space<vmem>> -> memref<1x96x64xf32, #tpu.memory_space<vmem>>
      %dma_start3A_494 = tpu.memref_squeeze %dma_start3A_493 : memref<1x96x64xf32, #tpu.memory_space<vmem>> -> memref<96x64xf32, #tpu.memory_space<vmem>>
      %dma_start3A_495 = arith.constant 0 : i32
      %dma_start3A_496 = tpu.memref_slice %arg6[%dma_start3A_489, %dma_start3A_495] : memref<4x200xi32, #tpu.memory_space<vmem>> -> memref<1x96xi32, #tpu.memory_space<vmem>>
      %dma_start3A_497 = tpu.memref_squeeze %dma_start3A_496 : memref<1x96xi32, #tpu.memory_space<vmem>> -> memref<96xi32, #tpu.memory_space<vmem>>
      %dma_start3A_498 = arith.constant 0 : i32
      %dma_start3A_499 = arith.constant 0 : i32
      %dma_start3A_500 = tpu.memref_slice %arg3[%dma_start3A_498, %dma_start3A_499] : memref<1000000x64xf32, #tpu.memory_space<hbm>> -> memref<1000000x64xf32, #tpu.memory_space<hbm>>
      tpu.enqueue_indirect_dma source(%dma_start3A_500 : memref<1000000x64xf32, #tpu.memory_space<hbm>>) target(%dma_start3A_494 : memref<96x64xf32, #tpu.memory_space<vmem>>) offsets(%dma_start3A_497 : memref<96xi32, #tpu.memory_space<vmem>>) semaphore(%arg12 : memref<!tpu.dma_semaphore, #tpu.memory_space<semaphore_mem>>)
      %dma_start3A_501 = arith.constant 2 : i32
      %dma_start3A_502 = arith.constant 2 : i32
      %dma_start3A_503 = arith.constant 96 : i32
      %dma_start3A_504 = arith.constant 0 : i32
      %dma_start3A_505 = tpu.memref_slice %arg8[%dma_start3A_502, %dma_start3A_503, %dma_start3A_504] : memref<4x200x64xf32, #tpu.memory_space<vmem>> -> memref<1x104x64xf32, #tpu.memory_space<vmem>>
      %dma_start3A_506 = tpu.memref_squeeze %dma_start3A_505 : memref<1x104x64xf32, #tpu.memory_space<vmem>> -> memref<104x64xf32, #tpu.memory_space<vmem>>
      %dma_start3A_507 = arith.constant 96 : i32
      %dma_start3A_508 = tpu.memref_slice %arg6[%dma_start3A_501, %dma_start3A_507] : memref<4x200xi32, #tpu.memory_space<vmem>> -> memref<1x104xi32, #tpu.memory_space<vmem>>
      %dma_start3A_509 = tpu.memref_squeeze %dma_start3A_508 : memref<1x104xi32, #tpu.memory_space<vmem>> -> memref<104xi32, #tpu.memory_space<vmem>>
      %dma_start3A_510 = arith.constant 0 : i32
      %dma_start3A_511 = arith.constant 0 : i32
      %dma_start3A_512 = tpu.memref_slice %arg3[%dma_start3A_510, %dma_start3A_511] : memref<1000000x64xf32, #tpu.memory_space<hbm>> -> memref<1000000x64xf32, #tpu.memory_space<hbm>>
      tpu.enqueue_indirect_dma source(%dma_start3A_512 : memref<1000000x64xf32, #tpu.memory_space<hbm>>) target(%dma_start3A_506 : memref<104x64xf32, #tpu.memory_space<vmem>>) offsets(%dma_start3A_509 : memref<104xi32, #tpu.memory_space<vmem>>) semaphore(%arg12 : memref<!tpu.dma_semaphore, #tpu.memory_space<semaphore_mem>>)
      %dma_start3A_513 = arith.constant 3 : i32
      %dma_start3A_514 = arith.constant 3 : i32
      %dma_start3A_515 = arith.constant 0 : i32
      %dma_start3A_516 = arith.constant 0 : i32
      %dma_start3A_517 = tpu.memref_slice %arg8[%dma_start3A_514, %dma_start3A_515, %dma_start3A_516] : memref<4x200x64xf32, #tpu.memory_space<vmem>> -> memref<1x96x64xf32, #tpu.memory_space<vmem>>
      %dma_start3A_518 = tpu.memref_squeeze %dma_start3A_517 : memref<1x96x64xf32, #tpu.memory_space<vmem>> -> memref<96x64xf32, #tpu.memory_space<vmem>>
      %dma_start3A_519 = arith.constant 0 : i32
      %dma_start3A_520 = tpu.memref_slice %arg6[%dma_start3A_513, %dma_start3A_519] : memref<4x200xi32, #tpu.memory_space<vmem>> -> memref<1x96xi32, #tpu.memory_space<vmem>>
      %dma_start3A_521 = tpu.memref_squeeze %dma_start3A_520 : memref<1x96xi32, #tpu.memory_space<vmem>> -> memref<96xi32, #tpu.memory_space<vmem>>
      %dma_start3A_522 = arith.constant 0 : i32
      %dma_start3A_523 = arith.constant 0 : i32
      %dma_start3A_524 = tpu.memref_slice %arg3[%dma_start3A_522, %dma_start3A_523] : memref<1000000x64xf32, #tpu.memory_space<hbm>> -> memref<1000000x64xf32, #tpu.memory_space<hbm>>
      tpu.enqueue_indirect_dma source(%dma_start3A_524 : memref<1000000x64xf32, #tpu.memory_space<hbm>>) target(%dma_start3A_518 : memref<96x64xf32, #tpu.memory_space<vmem>>) offsets(%dma_start3A_521 : memref<96xi32, #tpu.memory_space<vmem>>) semaphore(%arg12 : memref<!tpu.dma_semaphore, #tpu.memory_space<semaphore_mem>>)
      %dma_start3A_525 = arith.constant 3 : i32
      %dma_start3A_526 = arith.constant 3 : i32
      %dma_start3A_527 = arith.constant 96 : i32
      %dma_start3A_528 = arith.constant 0 : i32
      %dma_start3A_529 = tpu.memref_slice %arg8[%dma_start3A_526, %dma_start3A_527, %dma_start3A_528] : memref<4x200x64xf32, #tpu.memory_space<vmem>> -> memref<1x104x64xf32, #tpu.memory_space<vmem>>
      %dma_start3A_530 = tpu.memref_squeeze %dma_start3A_529 : memref<1x104x64xf32, #tpu.memory_space<vmem>> -> memref<104x64xf32, #tpu.memory_space<vmem>>
      %dma_start3A_531 = arith.constant 96 : i32
      %dma_start3A_532 = tpu.memref_slice %arg6[%dma_start3A_525, %dma_start3A_531] : memref<4x200xi32, #tpu.memory_space<vmem>> -> memref<1x104xi32, #tpu.memory_space<vmem>>
      %dma_start3A_533 = tpu.memref_squeeze %dma_start3A_532 : memref<1x104xi32, #tpu.memory_space<vmem>> -> memref<104xi32, #tpu.memory_space<vmem>>
      %dma_start3A_534 = arith.constant 0 : i32
      %dma_start3A_535 = arith.constant 0 : i32
      %dma_start3A_536 = tpu.memref_slice %arg3[%dma_start3A_534, %dma_start3A_535] : memref<1000000x64xf32, #tpu.memory_space<hbm>> -> memref<1000000x64xf32, #tpu.memory_space<hbm>>
      tpu.enqueue_indirect_dma source(%dma_start3A_536 : memref<1000000x64xf32, #tpu.memory_space<hbm>>) target(%dma_start3A_530 : memref<104x64xf32, #tpu.memory_space<vmem>>) offsets(%dma_start3A_533 : memref<104xi32, #tpu.memory_space<vmem>>) semaphore(%arg12 : memref<!tpu.dma_semaphore, #tpu.memory_space<semaphore_mem>>)
      %dma_wait3A_537 = arith.constant 0 : i32
      %dma_wait3A_538 = arith.constant 0 : i32
      %dma_wait3A_539 = arith.constant 0 : i32
      %dma_wait3A_540 = tpu.memref_slice %arg4[%dma_wait3A_537, %dma_wait3A_538, %dma_wait3A_539] : memref<16384x200x64xf32, #tpu.memory_space<hbm>> -> memref<4x200x64xf32, #tpu.memory_space<hbm>>
      %dma_wait3A_541 = arith.constant 0 : i32
      %dma_wait3A_542 = arith.constant 0 : i32
      %dma_wait3A_543 = arith.constant 0 : i32
      %dma_wait3A_544 = tpu.memref_slice %arg4[%dma_wait3A_541, %dma_wait3A_542, %dma_wait3A_543] : memref<16384x200x64xf32, #tpu.memory_space<hbm>> -> memref<4x200x64xf32, #tpu.memory_space<hbm>>
      tpu.wait_dma2 semaphore(%arg11 : memref<!tpu.dma_semaphore, #tpu.memory_space<semaphore_mem>>) src(%dma_wait3A_544 : memref<4x200x64xf32, #tpu.memory_space<hbm>>) dst(%arg7 : memref<4x200x64xf32, #tpu.memory_space<vmem>>)
      %mul3A_545 = arith.constant 4 : i32
      %mul3A_546 = arith.muli %add3A_426, %mul3A_545 : i32
      %add3A_547 = arith.addi %mul3A_2, %mul3A_546 : i32
      %dma_start3A_548 = arith.constant 0 : i32
      %dma_start3A_549 = arith.constant 0 : i32
      %dma_start3A_550 = tpu.memref_slice %arg4[%add3A_547, %dma_start3A_548, %dma_start3A_549] : memref<16384x200x64xf32, #tpu.memory_space<hbm>> -> memref<4x200x64xf32, #tpu.memory_space<hbm>>
      %dma_start3A_551 = arith.constant 0 : i32
      %dma_start3A_552 = arith.constant 0 : i32
      %dma_start3A_553 = tpu.memref_slice %arg4[%add3A_547, %dma_start3A_551, %dma_start3A_552] : memref<16384x200x64xf32, #tpu.memory_space<hbm>> -> memref<4x200x64xf32, #tpu.memory_space<hbm>>
      tpu.enqueue_dma source(%arg7 : memref<4x200x64xf32, #tpu.memory_space<vmem>>) target(%dma_start3A_553 : memref<4x200x64xf32, #tpu.memory_space<hbm>>) target_semaphore(%arg13 : memref<!tpu.dma_semaphore, #tpu.memory_space<semaphore_mem>>)
      %add3A_554 = arith.constant 2 : i32
      %add3A_555 = arith.addi %add3A_426, %add3A_554 : i32
      %min3A_556 = arith.constant 127 : i32
      %min3A_557 = arith.minsi %add3A_555, %min3A_556 : i32
      %mul3A_558 = arith.constant 4 : i32
      %mul3A_559 = arith.muli %min3A_557, %mul3A_558 : i32
      %add3A_560 = arith.addi %mul3A_2, %mul3A_559 : i32
      %dma_start3A_561 = arith.constant 0 : i32
      %dma_start3A_562 = tpu.memref_slice %arg2[%add3A_560, %dma_start3A_561] : memref<16384x200xi32, #tpu.memory_space<hbm>> -> memref<4x200xi32, #tpu.memory_space<hbm>>
      %dma_start3A_563 = arith.constant 0 : i32
      %dma_start3A_564 = tpu.memref_slice %arg2[%add3A_560, %dma_start3A_563] : memref<16384x200xi32, #tpu.memory_space<hbm>> -> memref<4x200xi32, #tpu.memory_space<hbm>>
      tpu.enqueue_dma source(%dma_start3A_564 : memref<4x200xi32, #tpu.memory_space<hbm>>) target(%arg5 : memref<4x200xi32, #tpu.memory_space<vmem>>) target_semaphore(%arg9 : memref<!tpu.dma_semaphore, #tpu.memory_space<semaphore_mem>>)
    }
    %scan3A_242 = arith.constant 63 : i32
    %dma_wait3A_243 = arith.constant 0 : i32
    %dma_wait3A_244 = arith.constant 0 : i32
    %dma_wait3A_245 = arith.constant 0 : i32
    %dma_wait3A_246 = tpu.memref_slice %arg4[%dma_wait3A_243, %dma_wait3A_244, %dma_wait3A_245] : memref<16384x200x64xf32, #tpu.memory_space<hbm>> -> memref<4x200x64xf32, #tpu.memory_space<hbm>>
    %dma_wait3A_247 = arith.constant 0 : i32
    %dma_wait3A_248 = arith.constant 0 : i32
    %dma_wait3A_249 = arith.constant 0 : i32
    %dma_wait3A_250 = tpu.memref_slice %arg4[%dma_wait3A_247, %dma_wait3A_248, %dma_wait3A_249] : memref<16384x200x64xf32, #tpu.memory_space<hbm>> -> memref<4x200x64xf32, #tpu.memory_space<hbm>>
    tpu.wait_dma2 semaphore(%arg13 : memref<!tpu.dma_semaphore, #tpu.memory_space<semaphore_mem>>) src(%arg7 : memref<4x200x64xf32, #tpu.memory_space<vmem>>) dst(%dma_wait3A_250 : memref<4x200x64xf32, #tpu.memory_space<hbm>>)
    %dma_wait3A_251 = arith.constant 0 : i32
    %dma_wait3A_252 = arith.constant 0 : i32
    %dma_wait3A_253 = tpu.memref_slice %arg2[%dma_wait3A_251, %dma_wait3A_252] : memref<16384x200xi32, #tpu.memory_space<hbm>> -> memref<4x200xi32, #tpu.memory_space<hbm>>
    %dma_wait3A_254 = arith.constant 0 : i32
    %dma_wait3A_255 = arith.constant 0 : i32
    %dma_wait3A_256 = tpu.memref_slice %arg2[%dma_wait3A_254, %dma_wait3A_255] : memref<16384x200xi32, #tpu.memory_space<hbm>> -> memref<4x200xi32, #tpu.memory_space<hbm>>
    tpu.wait_dma2 semaphore(%arg9 : memref<!tpu.dma_semaphore, #tpu.memory_space<semaphore_mem>>) src(%dma_wait3A_256 : memref<4x200xi32, #tpu.memory_space<hbm>>) dst(%arg5 : memref<4x200xi32, #tpu.memory_space<vmem>>)
    %dma_wait3A_257 = arith.constant 0 : i32
    %dma_wait3A_258 = arith.constant 0 : i32
    %dma_wait3A_259 = arith.constant 0 : i32
    %dma_wait3A_260 = tpu.memref_slice %arg4[%dma_wait3A_257, %dma_wait3A_258, %dma_wait3A_259] : memref<16384x200x64xf32, #tpu.memory_space<hbm>> -> memref<4x200x64xf32, #tpu.memory_space<hbm>>
    %dma_wait3A_261 = arith.constant 0 : i32
    %dma_wait3A_262 = arith.constant 0 : i32
    %dma_wait3A_263 = arith.constant 0 : i32
    %dma_wait3A_264 = tpu.memref_slice %arg4[%dma_wait3A_261, %dma_wait3A_262, %dma_wait3A_263] : memref<16384x200x64xf32, #tpu.memory_space<hbm>> -> memref<4x200x64xf32, #tpu.memory_space<hbm>>
    tpu.wait_dma2 semaphore(%arg12 : memref<!tpu.dma_semaphore, #tpu.memory_space<semaphore_mem>>) src(%dma_wait3A_264 : memref<4x200x64xf32, #tpu.memory_space<hbm>>) dst(%arg8 : memref<4x200x64xf32, #tpu.memory_space<vmem>>)
    %add3A_265 = arith.constant 508 : i32
    %add3A_266 = arith.addi %mul3A_2, %add3A_265 : i32
    %dma_start3A_267 = arith.constant 0 : i32
    %dma_start3A_268 = arith.constant 0 : i32
    %dma_start3A_269 = tpu.memref_slice %arg4[%add3A_266, %dma_start3A_267, %dma_start3A_268] : memref<16384x200x64xf32, #tpu.memory_space<hbm>> -> memref<4x200x64xf32, #tpu.memory_space<hbm>>
    %dma_start3A_270 = arith.constant 0 : i32
    %dma_start3A_271 = arith.constant 0 : i32
    %dma_start3A_272 = tpu.memref_slice %arg4[%add3A_266, %dma_start3A_270, %dma_start3A_271] : memref<16384x200x64xf32, #tpu.memory_space<hbm>> -> memref<4x200x64xf32, #tpu.memory_space<hbm>>
    tpu.enqueue_dma source(%arg8 : memref<4x200x64xf32, #tpu.memory_space<vmem>>) target(%dma_start3A_272 : memref<4x200x64xf32, #tpu.memory_space<hbm>>) target_semaphore(%arg14 : memref<!tpu.dma_semaphore, #tpu.memory_space<semaphore_mem>>)
    %dma_wait3A_273 = arith.constant 0 : i32
    %dma_wait3A_274 = arith.constant 0 : i32
    %dma_wait3A_275 = arith.constant 0 : i32
    %dma_wait3A_276 = tpu.memref_slice %arg4[%dma_wait3A_273, %dma_wait3A_274, %dma_wait3A_275] : memref<16384x200x64xf32, #tpu.memory_space<hbm>> -> memref<4x200x64xf32, #tpu.memory_space<hbm>>
    %dma_wait3A_277 = arith.constant 0 : i32
    %dma_wait3A_278 = arith.constant 0 : i32
    %dma_wait3A_279 = arith.constant 0 : i32
    %dma_wait3A_280 = tpu.memref_slice %arg4[%dma_wait3A_277, %dma_wait3A_278, %dma_wait3A_279] : memref<16384x200x64xf32, #tpu.memory_space<hbm>> -> memref<4x200x64xf32, #tpu.memory_space<hbm>>
    tpu.wait_dma2 semaphore(%arg14 : memref<!tpu.dma_semaphore, #tpu.memory_space<semaphore_mem>>) src(%arg8 : memref<4x200x64xf32, #tpu.memory_space<vmem>>) dst(%dma_wait3A_280 : memref<4x200x64xf32, #tpu.memory_space<hbm>>)
    return
  }
}

</mosaic_0001>

<sc_bundles>
// kernel: kernel.3.cloned.1.call-start
scs
__scs_entry_jumppad:
0x0: {  	(pc) =	sbr.rel $0x88, $3  }
0x1: {  	(tag) =	ssettag $0x0;
	lr =	simm.s32 $0x1  }
0x2: {  	[smem:$0x3F9F] =	sst lr;
	_ =	strace $0xD0000000  }
0x3: {  	_ = 	snop  }
0x4: {  	_ = 	snop  }
0x5: {  	_ = 	snop  }
0x6: {  	_ = 	snop  }
0x7: {  	_ = 	snop  }
__scs_overlays_trampoline_lowered:
0x8: {  	[smem:$0x3FAE] =	sst s0  }
0x9: {  	[smem:$0x3FAF] =	sst s1  }
0xa: {  	[smem:$0x3FB0] =	sst s2  }
0xb: {  	[smem:$0x3FB1] =	sst s3  }
0xc: {  	[smem:$0x3FB2] =	sst s4  }
0xd: {  	[smem:$0x3FB3] =	sst s5  }
0xe: {  	[smem:$0x3FB4] =	sst s6  }
0xf: {  	[smem:$0x3FB5] =	sst s7  }
0x10: {  	[smem:$0x3FB6] =	sst s8  }
0x11: {  	[smem:$0x3FB7] =	sst s9;
	s0 =	simm.s32 @!p0 $0x0  }
0x12: {  	s1 =	sld [smem:$0x3F9D];
	s0 =	simm.s32 @p0 $0x1  }
0x13: {  	[smem:$0x3FB8] =	sst s0;
	s0 =	simm.s32 @!p1 $0x0  }
0x14: {  	s2 =	sld [smem:$0x3F9C];
	s0 =	simm.s32 @p1 $0x1  }
0x15: {  	[smem:$0x3FB9] =	sst s0;
	s0 =	simm.s32 @!p2 $0x0  }
0x16: {  	s3 =	sld [smem:$0x3FDB];
	s0 =	simm.s32 @p2 $0x1  }
0x17: {  	s4 =	simm.s32 $0x1BF5;
	[smem:$0x3FBB] =	sst s0  }
0x18: {  	s0 =	sld [smem:$0x3F9E];
	_ =	swait.ge [sflag:s4], $0x0  }
0x19: {  	s7 =	sld [smem:$0x3F9F]  }
0x1a: {  	s8 =	sadd.s32 $0xFFFFE003, lr  }
0x1b: {  	s9 =	sadd.s32 $0xFFFFFEF7, lr;
	s5 =	simm.s32 $0xFFFFFFFF;
	p2 =	slt.u32 s8, $0xFFFFF086  }
0x1c: {  	p1 =	slt.u32 s9, $0xF7A;
	s5 =	simm.s32 @!p2 $0x0  }
0x1d: {  	s5 =	simm.s32 @p1 $0x1;
	p0 =	seq.s32 s7, s2  }
0x1e: {  	s7 =	smul.u32 @!p0 $0xF7A, s2;
	p2 =	seq.s32 @!p0 s5, $0x0  }
0x1f: {  	s9 =	smul.u32 $0xF7A, s1;
	s8 =	simm.s32 @!p0 $0x1BF5;
	p2 =	por !p2, p0  }
0x20: {  	[sflag:s8] =	ssyncset.s32 @!p0 $0xFFFFF086;
	s6 =	sadd.s32 @!p0 s3, s7;
	s7 =	simm.s32 @!p0 $0x108  }
0x21: {  	s3 =	sadd.s32 s3, s9;
	s6 =	sadd.s32 @!p0 $0x88, s6;
	s7 =	simm.s32 @p2 $0x1082  }
0x22: {  	[simem:s7], [sflag:s8] =	dma.local @!p0 [hbm:s6], $0xF7A  }
0x23: {  	s9 =	sor.u32 $0xD0000000, s2;
	s6 =	simm.s32 $0x108;
	_ =	swait.ge @!p0 [sflag:s8], $0x0  }
0x24: {  	s3 =	sadd.s32 $0x88, s3;
	s6 =	simm.s32 @!p1 $0x1082;
	[sflag:s4] =	ssyncset.s32 $0xFFFFF086  }
0x25: {  	[simem:s6], [sflag:s4] =	dma.local [hbm:s3], $0xF7A  }
0x26: {  	[smem:$0x3F9F] =	sst s1;
	(tag) =	ssettag s2;
	_ =	strace s9  }
0x27: {  	s1 =	sld [smem:$0x3FAF]  }
0x28: {  	s2 =	sld [smem:$0x3FB0]  }
0x29: {  	s4 =	sld [smem:$0x3FB2]  }
0x2a: {  	p0 =	seq.s32 s5, $0x0;
	s5 =	sld [smem:$0x3FB3]  }
0x2b: {  	s6 =	sld [smem:$0x3FB4]  }
0x2c: {  	s7 =	sld [smem:$0x3FB5]  }
0x2d: {  	s3 =	simm.s32 $0x108;
	s8 =	sld [smem:$0x3FB6]  }
0x2e: {  	s3 =	simm.s32 @!p0 $0x1082;
	s9 =	sld [smem:$0x3FB7]  }
0x2f: {  	lr =	sadd.s32 s0, s3;
	s0 =	sld [smem:$0x3FAE]  }
0x30: {  	s3 =	sld [smem:$0x3FB1]  }
0x31: {  	[smem:$0x3FBA] =	sst s10  }
0x32: {  	s10 =	sld [smem:$0x3FB8];
	_ =	sdelay $0x3  }
0x33: {  	p0 =	seq.s32 s10, $0x1;
	s10 =	sld [smem:$0x3FBA];
	_ =	sdelay $0x3  }
0x34: {  	[smem:$0x3FBA] =	sst s10  }
0x35: {  	s10 =	sld [smem:$0x3FB9];
	_ =	sdelay $0x3  }
0x36: {  	p1 =	seq.s32 s10, $0x1;
	s10 =	sld [smem:$0x3FBA];
	_ =	sdelay $0x3  }
0x37: {  	[smem:$0x3FBA] =	sst s10  }
0x38: {  	s10 =	sld [smem:$0x3FBB]  }
0x39: {  	_ = 	snop;
	(pc) =	sbr.ind lr, $3  }
0x3a: {  	_ = 	snop  }
0x3b: {  	_ = 	snop  }
0x3c: {  	p2 =	seq.s32 s10, $0x1;
	s10 =	sld [smem:$0x3FBA]  }
0x3d: {  	_ =	shalt  }
0x3e: {  	_ =	shalt  }
0x3f: {  	_ =	shalt  }
0x40: {  	_ =	shalt  }
0x41: {  	_ =	shalt  }
0x42: {  	_ =	shalt  }
0x43: {  	_ =	shalt  }
0x44: {  	_ =	shalt  }
0x45: {  	_ =	shalt  }
0x46: {  	_ =	shalt  }
0x47: {  	_ =	shalt  }
0x48: {  	_ =	shalt  }
0x49: {  	_ =	shalt  }
0x4a: {  	_ =	shalt  }
0x4b: {  	_ =	shalt  }
0x4c: {  	_ =	shalt  }
0x4d: {  	_ =	shalt  }
0x4e: {  	_ =	shalt  }
0x4f: {  	_ =	shalt  }
0x50: {  	_ =	shalt  }
0x51: {  	_ =	shalt  }
0x52: {  	_ =	shalt  }
0x53: {  	_ =	shalt  }
0x54: {  	_ =	shalt  }
0x55: {  	_ =	shalt  }
0x56: {  	_ =	shalt  }
0x57: {  	_ =	shalt  }
0x58: {  	_ =	shalt  }
0x59: {  	_ =	shalt  }
0x5a: {  	_ =	shalt  }
0x5b: {  	_ =	shalt  }
0x5c: {  	_ =	shalt  }
0x5d: {  	_ =	shalt  }
0x5e: {  	_ =	shalt  }
0x5f: {  	_ =	shalt  }
0x60: {  	_ =	shalt  }
0x61: {  	_ =	shalt  }
0x62: {  	_ =	shalt  }
0x63: {  	_ =	shalt  }
0x64: {  	_ =	shalt  }
0x65: {  	_ =	shalt  }
0x66: {  	_ =	shalt  }
0x67: {  	_ =	shalt  }
0x68: {  	_ =	shalt  }
0x69: {  	_ =	shalt  }
0x6a: {  	_ =	shalt  }
0x6b: {  	_ =	shalt  }
0x6c: {  	_ =	shalt  }
0x6d: {  	_ =	shalt  }
0x6e: {  	_ =	shalt  }
0x6f: {  	_ =	shalt  }
0x70: {  	_ =	shalt  }
0x71: {  	_ =	shalt  }
0x72: {  	_ =	shalt  }
0x73: {  	_ =	shalt  }
0x74: {  	_ =	shalt  }
0x75: {  	_ =	shalt  }
0x76: {  	_ =	shalt  }
0x77: {  	_ =	shalt  }
0x78: {  	_ =	shalt  }
0x79: {  	_ =	shalt  }
0x7a: {  	_ =	shalt  }
0x7b: {  	_ =	shalt  }
0x7c: {  	_ =	shalt  }
0x7d: {  	_ =	shalt  }
0x7e: {  	_ =	shalt  }
0x7f: {  	_ =	shalt  }
0x80: {  	_ =	shalt  }
0x81: {  	_ =	shalt  }
0x82: {  	_ =	shalt  }
0x83: {  	_ =	shalt  }
0x84: {  	_ =	shalt  }
0x85: {  	_ =	shalt  }
0x86: {  	_ =	shalt  }
0x87: {  	_ =	shalt  }
.Lfunc_end0:
.L_simem_size_0:
called_computation.1_lowered:
.L_overlay_start_0:
0x88: {  	s2 =	sld [smem:$0x3FD9]  }
0x89: {  	s3 =	sld [smem:$0x3FFE];
	_ =	sdelay $0x1  }
0x8a: {  	s1 =	srdreg.scid  }
0x8b: {  	s0 =	sand.u32 $0x1, s1  }
0x8c: {  	s17 =	sshll.u32 s0, $0xA;
	s2 =	sadd.s32 s3, s2  }
0x8d: {  	s2 =	sadd.s32 s2, s17  }
0x8e: {  	[smem:$0x3FC6] =	sst s2  }
0x8f: {  	_ = 	snop  }
0x90: {  	s2 =	sld [smem:$0x3FD0];
	(tm) =	ssettm $0x1  }
0x91: {  	s18 =	sld [smem:$0x3FFB];
	_ =	sdelay $0x3  }
0x92: {  	_ =	strace s18  }
0x93: {  	s3 =	sld [smem:$0x3FFC];
	_ =	sdelay $0x3  }
0x94: {  	_ =	strace s3  }
0x95: {  	s3 =	sld [smem:$0x3FFD];
	_ =	sdelay $0x3  }
0x96: {  	_ =	strace s3  }
0x97: {  	_ =	strace $0x8FFFFFFF  }
0x98: {  	s19 =	sld [smem:$0x3FDB];
	_ =	sdelay $0x1  }
0x99: {  	s4 =	simm.s32 $_scs_section_size  }
0x9a: {  	s5 =	simm.s32 $_size__tile_overlayer_lowered;
	s6 =	simm.s32 $_tile_overlayer_lowered  }
0x9b: {  	s22 =	simm.s32 $0x1BFF;
	s21 =	sshll.u32 s6, $0x1;
	s3 =	sadd.s32 s4, s19  }
0x9c: {  	s7 =	simm.s32 $0x0;
	s20 =	sshll.u32 s5, $0x1;
	s5 =	sadd.s32 s21, s3  }
0x9d: {  	[timem:s7], [sflag:s22] =	dma.local [hbm:s5], s20  }
0x9e: {  	_ =	swait.ge [sflag:s22], s20  }
0x9f: {  	s4 =	ssub.s32 $0x0, s20;
	[sflag:s22] =	ssyncset.done $0x0  }
0xa0: {  	[sflag:s22] =	ssyncadd.s32 s4;
	_ =	sdelay $0x1  }
0xa1: {  	s23 =	simm.s32 $0x1B8B  }
0xa2: {  	_ =	swait.ge [sflag:s23], $0x1  }
0xa3: {  	[sflag:s23] =	ssyncset.done $0x0  }
0xa4: {  	s25 =	simm.s32 $0x1B8E;
	s24 =	sld [smem:$0x3FFE];
	[sflag:s23] =	ssyncadd.s32 $0xFFFFFFFF  }
0xa5: {  	s26 =	simm.s32 $execute0_lowered;
	[smem:$0x3FD2] =	sst s25  }
0xa6: {  	s5 =	sshll.u32 s26, $0x1;
	_ =	strace $0x80000046;
	[dreg:$0x1] =	wrdreg $0xFFFFFFFF  }
0xa7: {  	s28 =	simm.s32 $_size_execute0_lowered;
	s3 =	sadd.s32 s3, s5;
	[dreg:$0x0] =	wrdreg $0x0  }
0xa8: {  	s5 =	sshll.u32 s28, $0x1;
	[dreg:$0x2] =	wrdreg s3  }
0xa9: {  	[dreg:$0x3] =	wrdreg s5  }
0xaa: {  	[dreg:$0x4] =	wrdreg $0xC0  }
0xab: {  	_ =	task [dreg:s7], $0x5FFFF  }
0xac: {  	[dreg:$0x1] =	wrdreg $0xFFFFFFFF  }
0xad: {  	[dreg:$0x0] =	wrdreg $0x60  }
0xae: {  	[dreg:$0x2] =	wrdreg s24  }
0xaf: {  	[dreg:$0x3] =	wrdreg s2  }
0xb0: {  	[dreg:$0x4] =	wrdreg $0x9  }
0xb1: {  	_ =	task.clear_ibuf [dreg:s7], $0x5FFFF;
	_ =	strace $0x90000046  }
0xb2: {  	s29 =	simm.s32 $0x9;
	_ =	strace $0x80000048  }
0xb3: {  	_ =	swait.ge [sflag:s29], $0x1  }
0xb4: {  	[sflag:s29] =	ssyncadd.s32 $0xFFFFFFFF  }
0xb5: {  	_ =	strace $0x90000048  }
0xb6: {  	_ =	sfence  }
0xb7: {  	s30 =	sld [smem:$0x0];
	_ =	sdelay $0x2  }
0xb8: {  	s31 =	sshll.u32 s1, $0xD;
	s1 =	sshrl.u32 s1, $0x2  }
0xb9: {  	s3 =	sand.u32 $0x4000, s31;
	s1 =	sadd.s32 s1, s30  }
0xba: {  	s0 =	sor.u32 s3, s0;
	s1 =	sshll.u32 s1, $0x11  }
0xbb: {  	s0 =	sor.u32 s1, s0  }
0xbc: {  	s0 =	sadd.s32 $0x8F2B, s0  }
0xbd: {  	[sflag:s0] =	ssyncadd.remote.s32 $0x1  }
0xbe: {  	_ =	sfence.sel $0xFFFF  }
0xbf: {  	[dreg:$0x0] =	wrdreg $0xFFFFFFFF;
	(pc) =	sbr.abs _section_cstart, $3  }
0xc0: {  	[dreg:$0x1] =	wrdreg $0xFFFFFFFF  }
0xc1: {  	_ =	task.clear_ibuf [dreg:s7], $0x2FFFF;
	_ =	strace $0x9FFFFFFF  }
0xc2: {  	(tm) =	ssettm $0x7FFFFFFF  }
0xc3: {  	_ =	shalt  }
tec
execute0_lowered:
.L_overlay_start_1:
0x0: {  	(tag) =	ssettag $0x1  }
0x1: {  	s0 =	rddreg [dreg:$0x0]  }
0x2: {  	s1 =	rddreg [dreg:$0x1]  }
0x3: {  	s2 =	srdreg.scid;
	s10 =	stileid.u32;
	s14 =	simm.s32 $0x320  }
0x4: {  	s15 =	simm.s32 $0x1;
	s16 =	simm.s32 $0x60;
	s17 =	simm.s32 $0x640  }
0x5: {  	s18 =	simm.s32 $0x68;
	s28 =	simm.s32 $0x6;
	s4 =	sand.u32 $0x1, s2  }
0x6: {  	s2 =	simm.s32 $0x0;
	s3 =	sshll.u32 s10, $0xA;
	s21 =	smul.u32 $0x6400, s10  }
0x7: {  	s6 =	sadd.s32 $0x800, s0;
	s24 =	smul.u32 $0x190000, s10;
	s5 =	sshll.u32 s4, $0x9  }
0x8: {  	[smem:$0x7FF] =	sst s2;
	s20 =	ssub.s32 $0x2, s4;
	s22 =	smul.u32 $0x3200, s4  }
0x9: {  	s25 =	smul.u32 $0xC8000, s4;
	s5 =	sor.u32 s5, s3;
	_ =	strace $0x80000047  }
0xa: {  	s3 =	sadd.s32 $0x64800, s0;
	s9 =	sshrl.u32 s20, $0x1;
	s29 =	sadd.s32 s21, s6  }
0xb: {  	s7 =	smul.u32 $0x19, s5;
	s0 =	ssub.s32 s20, s9;
	s4 =	sadd.s32 s22, s29  }
0xc: {  	s8 =	smul.u32 $0x640, s5;
	s0 =	smax.u32 s0, $0x1;
	[dreg:$0x3] =	wrdreg s4  }
0xd: {  	s5 =	smul.u32 $0x3200, s5;
	s11 =	sadd.s32 s6, s7;
	[dreg:$0x9] =	wrdreg s0  }
0xe: {  	s4 =	simm.s32 $0x0;
	s12 =	sadd.s32 s1, s8;
	[dreg:$0x4] =	wrdreg s11  }
0xf: {  	s5 =	sshrl.u32 s5, $0x3;
	s7 =	sadd.s32 $0x64, s11;
	[dreg:$0x6] =	wrdreg s12  }
0x10: {  	s23 =	sadd.s32 $0xC8, s11;
	s5 =	sadd.s32 s1, s5;
	[dreg:$0x5] =	wrdreg s7  }
0x11: {  	s26 =	sadd.s32 $0xC3500, s12;
	s1 =	sadd.s32 s24, s1;
	[dreg:$0x7] =	wrdreg s23  }
0x12: {  	s30 =	sadd.s32 $0x319C, s11;
	s31 =	sadd.s32 $0xC4E00, s12;
	[dreg:$0xa] =	wrdreg s26  }
0x13: {  	s24 =	simm.s32 $0x3;
	s5 =	sadd.s32 $0xC6700, s5;
	[dreg:$0xb] =	wrdreg s30  }
0x14: {  	s0 =	sadd.s32 s25, s1;
	[dreg:$0xc] =	wrdreg s31;
	s1 =	simm.s32 $0x2  }
0x15: {  	s25 =	simm.s32 $0x5;
	[dreg:$0x8] =	wrdreg s5;
	s0 =	sadd.s32 $0x3200, s0  }
0x16: {  	s26 =	simm.s32 $0x4;
	s5 =	simm.s32 $0xCE40;
	[dreg:$0xd] =	wrdreg s0  }
.LBB2_1:
0x17: {  	[dreg:$0xe] =	wrdreg s4  }
0x18: {  	s0 =	rddreg [dreg:$0x4]  }
0x19: {  	[tilespmem:s2], [sflag:$0x1] =	stream.linear.gather [hbm4b:s0+s2], $0x320, $0x38;
	[tilespmem:$0x19640] =	vst v63  }
0x1a: {  	s12 =	rddreg [dreg:$0x5]  }
0x1b: {  	[tilespmem:s14], [sflag:$0x2] =	stream.linear.gather [hbm4b:s12+s2], $0x320, $0x38;
	[tilespmem:$0x19640] =	vst v63  }
0x1c: {  	_ =	swait.ge [sflag:s15], $0x320  }
0x1d: {  	[sflag:s15] =	ssyncset.done $0x0  }
0x1e: {  	[sflag:s15] =	ssyncadd.s32 $0xFFFFFCE0  }
0x1f: {  	[tilespmem:s17], [sflag:$0x3] =	stream.indirect.gather [hbm4b:s3+s16], $0x40, s2, s16, $0xb8;
	[tilespmem:$0x19640] =	vst v63  }
0x20: {  	s6 =	simm.s32 $0x1E40  }
0x21: {  	[tilespmem:s6], [sflag:$0x3] =	stream.indirect.gather [hbm4b:s3+s18], $0x40, s16, s18, $0xb8;
	[tilespmem:$0x19640] =	vst v63  }
0x22: {  	s4 =	simm.s32 $0xC8;
	s30 =	simm.s32 $0x3840  }
0x23: {  	[tilespmem:s30], [sflag:$0x3] =	stream.indirect.gather [hbm4b:s3+s16], $0x40, s4, s16, $0xb8;
	[tilespmem:$0x19640] =	vst v63  }
0x24: {  	s11 =	simm.s32 $0x128;
	s7 =	simm.s32 $0x5040  }
0x25: {  	[tilespmem:s7], [sflag:$0x3] =	stream.indirect.gather [hbm4b:s3+s18], $0x40, s11, s18, $0xb8;
	[tilespmem:$0x19640] =	vst v63  }
0x26: {  	s20 =	simm.s32 $0x190;
	s29 =	simm.s32 $0x6A40  }
0x27: {  	[tilespmem:s29], [sflag:$0x3] =	stream.indirect.gather [hbm4b:s3+s16], $0x40, s20, s16, $0xb8;
	[tilespmem:$0x19640] =	vst v63  }
0x28: {  	s13 =	simm.s32 $0x1F0;
	s31 =	simm.s32 $0x8240  }
0x29: {  	[tilespmem:s31], [sflag:$0x3] =	stream.indirect.gather [hbm4b:s3+s18], $0x40, s13, s18, $0xb8;
	[tilespmem:$0x19640] =	vst v63  }
0x2a: {  	s19 =	simm.s32 $0x258;
	s8 =	simm.s32 $0x9C40  }
0x2b: {  	[tilespmem:s8], [sflag:$0x3] =	stream.indirect.gather [hbm4b:s3+s16], $0x40, s19, s16, $0xb8;
	[tilespmem:$0x19640] =	vst v63  }
0x2c: {  	s21 =	simm.s32 $0x2B8;
	s22 =	simm.s32 $0xB440  }
0x2d: {  	[tilespmem:s22], [sflag:$0x3] =	stream.indirect.gather [hbm4b:s3+s18], $0x40, s21, s18, $0xb8;
	[tilespmem:$0x19640] =	vst v63  }
0x2e: {  	_ =	swait.ge [sflag:s1], $0x320  }
0x2f: {  	[sflag:s1] =	ssyncset.done $0x0  }
0x30: {  	[sflag:s1] =	ssyncadd.s32 $0xFFFFFCE0  }
0x31: {  	[tilespmem:s5], [sflag:$0x4] =	stream.indirect.gather [hbm4b:s3+s16], $0x40, s14, s16, $0xb8;
	[tilespmem:$0x19640] =	vst v63  }
0x32: {  	s9 =	simm.s32 $0x380;
	s12 =	simm.s32 $0xE640  }
0x33: {  	[tilespmem:s12], [sflag:$0x4] =	stream.indirect.gather [hbm4b:s3+s18], $0x40, s9, s18, $0xb8;
	[tilespmem:$0x19640] =	vst v63  }
0x34: {  	s10 =	simm.s32 $0x3E8;
	s13 =	simm.s32 $0x10040  }
0x35: {  	[tilespmem:s13], [sflag:$0x4] =	stream.indirect.gather [hbm4b:s3+s16], $0x40, s10, s16, $0xb8;
	[tilespmem:$0x19640] =	vst v63  }
0x36: {  	s19 =	simm.s32 $0x448;
	s22 =	simm.s32 $0x11840  }
0x37: {  	[tilespmem:s22], [sflag:$0x4] =	stream.indirect.gather [hbm4b:s3+s18], $0x40, s19, s18, $0xb8;
	[tilespmem:$0x19640] =	vst v63  }
0x38: {  	s23 =	simm.s32 $0x13240;
	s21 =	simm.s32 $0x4B0  }
0x39: {  	[tilespmem:s23], [sflag:$0x4] =	stream.indirect.gather [hbm4b:s3+s16], $0x40, s21, s16, $0xb8;
	[tilespmem:$0x19640] =	vst v63  }
0x3a: {  	s8 =	simm.s32 $0x14A40;
	s23 =	simm.s32 $0x510  }
0x3b: {  	[tilespmem:s8], [sflag:$0x4] =	stream.indirect.gather [hbm4b:s3+s18], $0x40, s23, s18, $0xb8;
	[tilespmem:$0x19640] =	vst v63  }
0x3c: {  	s0 =	simm.s32 $0x578;
	s8 =	simm.s32 $0x16440  }
0x3d: {  	[tilespmem:s8], [sflag:$0x4] =	stream.indirect.gather [hbm4b:s3+s16], $0x40, s0, s16, $0xb8;
	[tilespmem:$0x19640] =	vst v63  }
0x3e: {  	s0 =	simm.s32 $0x5D8;
	s8 =	simm.s32 $0x17C40  }
0x3f: {  	[tilespmem:s8], [sflag:$0x4] =	stream.indirect.gather [hbm4b:s3+s18], $0x40, s0, s18, $0xb8;
	[tilespmem:$0x19640] =	vst v63  }
0x40: {  	_ =	swait.ge [sflag:s24], $0xC800  }
0x41: {  	[sflag:s24] =	ssyncset.done $0x0  }
0x42: {  	s8 =	rddreg [dreg:$0x6];
	[sflag:s24] =	ssyncadd.s32 $0xFFFF3800  }
0x43: {  	[hbm4b:s8+s2] =	stream.linear.scatter [tilespmem:s17], [sflag:$0x5], $0xC800, $0x38;
	[tilespmem:$0x19640] =	vst v63  }
0x44: {  	s8 =	rddreg [dreg:$0x7]  }
0x45: {  	[tilespmem:s2], [sflag:$0x1] =	stream.linear.gather [hbm4b:s8+s2], $0x320, $0x38;
	[tilespmem:$0x19640] =	vst v63  }
0x46: {  	_ =	swait.ge [sflag:s25], $0xC800  }
0x47: {  	[sflag:s25] =	ssyncset.done $0x0  }
0x48: {  	[sflag:s25] =	ssyncadd.s32 $0xFFFF3800  }
0x49: {  	_ =	swait.ge [sflag:s15], $0x320  }
0x4a: {  	[sflag:s15] =	ssyncset.done $0x0  }
0x4b: {  	[sflag:s15] =	ssyncadd.s32 $0xFFFFFCE0  }
0x4c: {  	[tilespmem:s17], [sflag:$0x3] =	stream.indirect.gather [hbm4b:s3+s16], $0x40, s2, s16, $0xb8;
	[tilespmem:$0x19640] =	vst v63  }
0x4d: {  	_ = 	snop  }
0x4e: {  	[tilespmem:s6], [sflag:$0x3] =	stream.indirect.gather [hbm4b:s3+s18], $0x40, s16, s18, $0xb8;
	[tilespmem:$0x19640] =	vst v63  }
0x4f: {  	_ = 	snop  }
0x50: {  	[tilespmem:s30], [sflag:$0x3] =	stream.indirect.gather [hbm4b:s3+s16], $0x40, s4, s16, $0xb8;
	[tilespmem:$0x19640] =	vst v63  }
0x51: {  	_ = 	snop  }
0x52: {  	[tilespmem:s7], [sflag:$0x3] =	stream.indirect.gather [hbm4b:s3+s18], $0x40, s11, s18, $0xb8;
	[tilespmem:$0x19640] =	vst v63  }
0x53: {  	_ = 	snop  }
0x54: {  	[tilespmem:s29], [sflag:$0x3] =	stream.indirect.gather [hbm4b:s3+s16], $0x40, s20, s16, $0xb8;
	[tilespmem:$0x19640] =	vst v63  }
0x55: {  	s4 =	simm.s32 $0x1F0  }
0x56: {  	[tilespmem:s31], [sflag:$0x3] =	stream.indirect.gather [hbm4b:s3+s18], $0x40, s4, s18, $0xb8;
	[tilespmem:$0x19640] =	vst v63  }
0x57: {  	s6 =	simm.s32 $0x258;
	s7 =	simm.s32 $0x9C40  }
0x58: {  	[tilespmem:s7], [sflag:$0x3] =	stream.indirect.gather [hbm4b:s3+s16], $0x40, s6, s16, $0xb8;
	[tilespmem:$0x19640] =	vst v63  }
0x59: {  	s8 =	simm.s32 $0x2B8;
	s11 =	simm.s32 $0xB440  }
0x5a: {  	[tilespmem:s11], [sflag:$0x3] =	stream.indirect.gather [hbm4b:s3+s18], $0x40, s8, s18, $0xb8;
	[tilespmem:$0x19640] =	vst v63  }
0x5b: {  	_ =	swait.ge [sflag:s26], $0xC800  }
0x5c: {  	[sflag:s26] =	ssyncset.done $0x0;
	s0 =	rddreg [dreg:$0xd]  }
0x5d: {  	s29 =	rddreg [dreg:$0x3];
	[sflag:s26] =	ssyncadd.s32 $0xFFFF3800;
	s30 =	sadd.s32 $0xFFFFE700, s0  }
0x5e: {  	[hbm4b:s30+s2] =	stream.linear.scatter [tilespmem:s5], [sflag:$0x6], $0xC800, $0x38;
	[tilespmem:$0x19640] =	vst v63  }
0x5f: {  	s30 =	sadd.s32 $0x0, s29  }
0x60: {  	s29 =	sadd.s32 $0x12C, s30  }
0x61: {  	[tilespmem:s14], [sflag:$0x2] =	stream.linear.gather [hbm4b:s29+s2], $0x320, $0x38;
	[tilespmem:$0x19640] =	vst v63  }
0x62: {  	_ =	swait.ge [sflag:s28], $0xC800  }
0x63: {  	[sflag:s28] =	ssyncset.done $0x0  }
0x64: {  	[sflag:s28] =	ssyncadd.s32 $0xFFFF3800  }
0x65: {  	_ =	swait.ge [sflag:s1], $0x320  }
0x66: {  	[sflag:s1] =	ssyncset.done $0x0  }
0x67: {  	[sflag:s1] =	ssyncadd.s32 $0xFFFFFCE0  }
0x68: {  	[tilespmem:s5], [sflag:$0x4] =	stream.indirect.gather [hbm4b:s3+s16], $0x40, s14, s16, $0xb8;
	[tilespmem:$0x19640] =	vst v63  }
0x69: {  	_ = 	snop  }
0x6a: {  	[tilespmem:s12], [sflag:$0x4] =	stream.indirect.gather [hbm4b:s3+s18], $0x40, s9, s18, $0xb8;
	[tilespmem:$0x19640] =	vst v63  }
0x6b: {  	s20 =	simm.s32 $0x11840  }
0x6c: {  	[tilespmem:s13], [sflag:$0x4] =	stream.indirect.gather [hbm4b:s3+s16], $0x40, s10, s16, $0xb8;
	[tilespmem:$0x19640] =	vst v63  }
0x6d: {  	s4 =	simm.s32 $0x17C40;
	s6 =	simm.s32 $0x13240;
	s7 =	simm.s32 $0x578  }
0x6e: {  	[tilespmem:s22], [sflag:$0x4] =	stream.indirect.gather [hbm4b:s3+s18], $0x40, s19, s18, $0xb8;
	[tilespmem:$0x19640] =	vst v63  }
0x6f: {  	s8 =	simm.s32 $0xE640;
	s11 =	simm.s32 $0x14A40;
	s19 =	simm.s32 $0x13240  }
0x70: {  	[tilespmem:s19], [sflag:$0x4] =	stream.indirect.gather [hbm4b:s3+s16], $0x40, s21, s16, $0xb8;
	[tilespmem:$0x19640] =	vst v63  }
0x71: {  	s31 =	sadd.s32 $0x190, s30;
	s30 =	smov.u32 s0;
	s21 =	simm.s32 $0x14A40  }
0x72: {  	[tilespmem:s21], [sflag:$0x4] =	stream.indirect.gather [hbm4b:s3+s18], $0x40, s23, s18, $0xb8;
	[tilespmem:$0x19640] =	vst v63  }
0x73: {  	s29 =	simm.s32 $0x17C40;
	s9 =	simm.s32 $0x3E8;
	s23 =	simm.s32 $0x16440  }
0x74: {  	[tilespmem:s23], [sflag:$0x4] =	stream.indirect.gather [hbm4b:s3+s16], $0x40, s7, s16, $0xb8;
	[tilespmem:$0x19640] =	vst v63  }
0x75: {  	s12 =	simm.s32 $0x10040;
	s13 =	simm.s32 $0x448;
	s7 =	simm.s32 $0x5D8  }
0x76: {  	[tilespmem:s29], [sflag:$0x4] =	stream.indirect.gather [hbm4b:s3+s18], $0x40, s7, s18, $0xb8;
	[tilespmem:$0x19640] =	vst v63  }
0x77: {  	s10 =	simm.s32 $0x510;
	s22 =	simm.s32 $0x4B0;
	_ =	swait.ge [sflag:s24], $0xC800  }
0x78: {  	s19 =	simm.s32 $0x578;
	s21 =	simm.s32 $0x16440;
	[sflag:s24] =	ssyncset.done $0x0  }
0x79: {  	s23 =	simm.s32 $0x5D8;
	s29 =	simm.s32 $0xC8;
	[sflag:s24] =	ssyncadd.s32 $0xFFFF3800  }
0x7a: {  	[hbm4b:s0+s2] =	stream.linear.scatter [tilespmem:s17], [sflag:$0x5], $0xC800, $0x38;
	[tilespmem:$0x19640] =	vst v63  }
.LBB2_2:
0x7b: {  	[tilespmem:s2], [sflag:$0x1] =	stream.linear.gather [hbm4b:s31+s2], $0x320, $0x38;
	[tilespmem:$0x19640] =	vst v63  }
0x7c: {  	_ =	swait.ge [sflag:s25], $0xC800  }
0x7d: {  	[sflag:s25] =	ssyncset.done $0x0  }
0x7e: {  	[sflag:s25] =	ssyncadd.s32 $0xFFFF3800  }
0x7f: {  	_ =	swait.ge [sflag:s15], $0x320  }
0x80: {  	[sflag:s15] =	ssyncset.done $0x0  }
0x81: {  	[sflag:s15] =	ssyncadd.s32 $0xFFFFFCE0  }
0x82: {  	[tilespmem:s17], [sflag:$0x3] =	stream.indirect.gather [hbm4b:s3+s16], $0x40, s2, s16, $0xb8;
	[tilespmem:$0x19640] =	vst v63  }
0x83: {  	s7 =	simm.s32 $0x1E40  }
0x84: {  	[tilespmem:s7], [sflag:$0x3] =	stream.indirect.gather [hbm4b:s3+s18], $0x40, s16, s18, $0xb8;
	[tilespmem:$0x19640] =	vst v63  }
0x85: {  	s31 =	simm.s32 $0x3840;
	s7 =	simm.s32 $0xC8  }
0x86: {  	[tilespmem:s31], [sflag:$0x3] =	stream.indirect.gather [hbm4b:s3+s16], $0x40, s7, s16, $0xb8;
	[tilespmem:$0x19640] =	vst v63  }
0x87: {  	s7 =	simm.s32 $0x128;
	s31 =	simm.s32 $0x5040  }
0x88: {  	[tilespmem:s31], [sflag:$0x3] =	stream.indirect.gather [hbm4b:s3+s18], $0x40, s7, s18, $0xb8;
	[tilespmem:$0x19640] =	vst v63  }
0x89: {  	s7 =	simm.s32 $0x190;
	s31 =	simm.s32 $0x6A40  }
0x8a: {  	[tilespmem:s31], [sflag:$0x3] =	stream.indirect.gather [hbm4b:s3+s16], $0x40, s7, s16, $0xb8;
	[tilespmem:$0x19640] =	vst v63  }
0x8b: {  	s7 =	simm.s32 $0x1F0;
	s31 =	simm.s32 $0x8240  }
0x8c: {  	[tilespmem:s31], [sflag:$0x3] =	stream.indirect.gather [hbm4b:s3+s18], $0x40, s7, s18, $0xb8;
	[tilespmem:$0x19640] =	vst v63  }
0x8d: {  	s7 =	simm.s32 $0x258;
	s31 =	simm.s32 $0x9C40  }
0x8e: {  	[tilespmem:s31], [sflag:$0x3] =	stream.indirect.gather [hbm4b:s3+s16], $0x40, s7, s16, $0xb8;
	[tilespmem:$0x19640] =	vst v63  }
0x8f: {  	s7 =	simm.s32 $0x2B8;
	s31 =	simm.s32 $0xB440  }
0x90: {  	[tilespmem:s31], [sflag:$0x3] =	stream.indirect.gather [hbm4b:s3+s18], $0x40, s7, s18, $0xb8;
	[tilespmem:$0x19640] =	vst v63  }
0x91: {  	s30 =	sadd.s32 $0x3200, s30;
	_ =	swait.ge [sflag:s26], $0xC800  }
0x92: {  	s0 =	smov.u32 s29;
	[sflag:s26] =	ssyncset.done $0x0;
	s31 =	rddreg [dreg:$0x3]  }
0x93: {  	s7 =	sadd.s32 $0xFFFFE700, s30;
	[sflag:s26] =	ssyncadd.s32 $0xFFFF3800;
	s0 =	sadd.s32 s0, s31  }
0x94: {  	[hbm4b:s7+s2] =	stream.linear.scatter [tilespmem:s5], [sflag:$0x6], $0xC800, $0x38;
	[tilespmem:$0x19640] =	vst v63  }
0x95: {  	s7 =	sadd.s32 $0x12C, s0  }
0x96: {  	[tilespmem:s14], [sflag:$0x2] =	stream.linear.gather [hbm4b:s7+s2], $0x320, $0x38;
	[tilespmem:$0x19640] =	vst v63  }
0x97: {  	_ =	swait.ge [sflag:s28], $0xC800  }
0x98: {  	[sflag:s28] =	ssyncset.done $0x0  }
0x99: {  	[sflag:s28] =	ssyncadd.s32 $0xFFFF3800  }
0x9a: {  	_ =	swait.ge [sflag:s1], $0x320  }
0x9b: {  	[sflag:s1] =	ssyncset.done $0x0  }
0x9c: {  	[sflag:s1] =	ssyncadd.s32 $0xFFFFFCE0  }
0x9d: {  	[tilespmem:s5], [sflag:$0x4] =	stream.indirect.gather [hbm4b:s3+s16], $0x40, s14, s16, $0xb8;
	[tilespmem:$0x19640] =	vst v63  }
0x9e: {  	s7 =	simm.s32 $0x380  }
0x9f: {  	[tilespmem:s8], [sflag:$0x4] =	stream.indirect.gather [hbm4b:s3+s18], $0x40, s7, s18, $0xb8;
	[tilespmem:$0x19640] =	vst v63  }
0xa0: {  	_ = 	snop  }
0xa1: {  	[tilespmem:s12], [sflag:$0x4] =	stream.indirect.gather [hbm4b:s3+s16], $0x40, s9, s16, $0xb8;
	[tilespmem:$0x19640] =	vst v63  }
0xa2: {  	_ = 	snop  }
0xa3: {  	[tilespmem:s20], [sflag:$0x4] =	stream.indirect.gather [hbm4b:s3+s18], $0x40, s13, s18, $0xb8;
	[tilespmem:$0x19640] =	vst v63  }
0xa4: {  	_ = 	snop  }
0xa5: {  	[tilespmem:s6], [sflag:$0x4] =	stream.indirect.gather [hbm4b:s3+s16], $0x40, s22, s16, $0xb8;
	[tilespmem:$0x19640] =	vst v63  }
0xa6: {  	_ = 	snop  }
0xa7: {  	[tilespmem:s11], [sflag:$0x4] =	stream.indirect.gather [hbm4b:s3+s18], $0x40, s10, s18, $0xb8;
	[tilespmem:$0x19640] =	vst v63  }
0xa8: {  	_ = 	snop  }
0xa9: {  	[tilespmem:s21], [sflag:$0x4] =	stream.indirect.gather [hbm4b:s3+s16], $0x40, s19, s16, $0xb8;
	[tilespmem:$0x19640] =	vst v63  }
0xaa: {  	p0 =	sne.s32 s29, $0x2FA8  }
0xab: {  	[tilespmem:s4], [sflag:$0x4] =	stream.indirect.gather [hbm4b:s3+s18], $0x40, s23, s18, $0xb8;
	[tilespmem:$0x19640] =	vst v63  }
.Ltmp0:
0xac: {  	_ = 	snop;
	(pc) =	sbr.rel @p0 .LBB2_2-.Ltmp0, $4  }
0xad: {  	_ =	swait.ge [sflag:s24], $0xC800  }
0xae: {  	[sflag:s24] =	ssyncset.done $0x0  }
0xaf: {  	s29 =	sadd.s32 $0xC8, s29;
	s31 =	sadd.s32 $0x190, s0;
	[sflag:s24] =	ssyncadd.s32 $0xFFFF3800  }
0xb0: {  	[hbm4b:s30+s2] =	stream.linear.scatter [tilespmem:s17], [sflag:$0x5], $0xC800, $0x38;
	[tilespmem:$0x19640] =	vst v63  }
0xb1: {  	[tilespmem:s2], [sflag:$0x1] =	stream.linear.gather [hbm4b:s31+s2], $0x320, $0x38;
	[tilespmem:$0x19640] =	vst v63  }
0xb2: {  	_ =	swait.ge [sflag:s25], $0xC800  }
0xb3: {  	[sflag:s25] =	ssyncset.done $0x0  }
0xb4: {  	[sflag:s25] =	ssyncadd.s32 $0xFFFF3800  }
0xb5: {  	_ =	swait.ge [sflag:s15], $0x320  }
0xb6: {  	[sflag:s15] =	ssyncset.done $0x0  }
0xb7: {  	[sflag:s15] =	ssyncadd.s32 $0xFFFFFCE0  }
0xb8: {  	[tilespmem:s17], [sflag:$0x3] =	stream.indirect.gather [hbm4b:s3+s16], $0x40, s2, s16, $0xb8;
	[tilespmem:$0x19640] =	vst v63  }
0xb9: {  	s0 =	simm.s32 $0x1E40  }
0xba: {  	[tilespmem:s0], [sflag:$0x3] =	stream.indirect.gather [hbm4b:s3+s18], $0x40, s16, s18, $0xb8;
	[tilespmem:$0x19640] =	vst v63  }
0xbb: {  	s29 =	simm.s32 $0xC8;
	s7 =	simm.s32 $0x3840  }
0xbc: {  	[tilespmem:s7], [sflag:$0x3] =	stream.indirect.gather [hbm4b:s3+s16], $0x40, s29, s16, $0xb8;
	[tilespmem:$0x19640] =	vst v63  }
0xbd: {  	s30 =	simm.s32 $0x128;
	s31 =	simm.s32 $0x5040  }
0xbe: {  	[tilespmem:s31], [sflag:$0x3] =	stream.indirect.gather [hbm4b:s3+s18], $0x40, s30, s18, $0xb8;
	[tilespmem:$0x19640] =	vst v63  }
0xbf: {  	s7 =	simm.s32 $0x190;
	s29 =	simm.s32 $0x6A40  }
0xc0: {  	[tilespmem:s29], [sflag:$0x3] =	stream.indirect.gather [hbm4b:s3+s16], $0x40, s7, s16, $0xb8;
	[tilespmem:$0x19640] =	vst v63  }
0xc1: {  	s30 =	simm.s32 $0x1F0;
	s31 =	simm.s32 $0x8240  }
0xc2: {  	[tilespmem:s31], [sflag:$0x3] =	stream.indirect.gather [hbm4b:s3+s18], $0x40, s30, s18, $0xb8;
	[tilespmem:$0x19640] =	vst v63  }
0xc3: {  	s7 =	simm.s32 $0x258;
	s29 =	simm.s32 $0x9C40  }
0xc4: {  	[tilespmem:s29], [sflag:$0x3] =	stream.indirect.gather [hbm4b:s3+s16], $0x40, s7, s16, $0xb8;
	[tilespmem:$0x19640] =	vst v63  }
0xc5: {  	s30 =	simm.s32 $0x2B8;
	s31 =	simm.s32 $0xB440  }
0xc6: {  	[tilespmem:s31], [sflag:$0x3] =	stream.indirect.gather [hbm4b:s3+s18], $0x40, s30, s18, $0xb8;
	[tilespmem:$0x19640] =	vst v63  }
0xc7: {  	_ =	swait.ge [sflag:s26], $0xC800  }
0xc8: {  	[sflag:s26] =	ssyncset.done $0x0  }
0xc9: {  	s29 =	rddreg [dreg:$0xa];
	[sflag:s26] =	ssyncadd.s32 $0xFFFF3800  }
0xca: {  	[hbm4b:s29+s2] =	stream.linear.scatter [tilespmem:s5], [sflag:$0x6], $0xC800, $0x38;
	[tilespmem:$0x19640] =	vst v63  }
0xcb: {  	s30 =	rddreg [dreg:$0xb]  }
0xcc: {  	[tilespmem:s14], [sflag:$0x2] =	stream.linear.gather [hbm4b:s30+s2], $0x320, $0x38;
	[tilespmem:$0x19640] =	vst v63  }
0xcd: {  	_ =	swait.ge [sflag:s28], $0xC800  }
0xce: {  	[sflag:s28] =	ssyncset.done $0x0  }
0xcf: {  	[sflag:s28] =	ssyncadd.s32 $0xFFFF3800  }
0xd0: {  	_ =	swait.ge [sflag:s1], $0x320  }
0xd1: {  	[sflag:s1] =	ssyncset.done $0x0  }
0xd2: {  	[sflag:s1] =	ssyncadd.s32 $0xFFFFFCE0  }
0xd3: {  	[tilespmem:s5], [sflag:$0x4] =	stream.indirect.gather [hbm4b:s3+s16], $0x40, s14, s16, $0xb8;
	[tilespmem:$0x19640] =	vst v63  }
0xd4: {  	s31 =	simm.s32 $0x380  }
0xd5: {  	[tilespmem:s8], [sflag:$0x4] =	stream.indirect.gather [hbm4b:s3+s18], $0x40, s31, s18, $0xb8;
	[tilespmem:$0x19640] =	vst v63  }
0xd6: {  	_ = 	snop  }
0xd7: {  	[tilespmem:s12], [sflag:$0x4] =	stream.indirect.gather [hbm4b:s3+s16], $0x40, s9, s16, $0xb8;
	[tilespmem:$0x19640] =	vst v63  }
0xd8: {  	_ = 	snop  }
0xd9: {  	[tilespmem:s20], [sflag:$0x4] =	stream.indirect.gather [hbm4b:s3+s18], $0x40, s13, s18, $0xb8;
	[tilespmem:$0x19640] =	vst v63  }
0xda: {  	_ = 	snop  }
0xdb: {  	[tilespmem:s6], [sflag:$0x4] =	stream.indirect.gather [hbm4b:s3+s16], $0x40, s22, s16, $0xb8;
	[tilespmem:$0x19640] =	vst v63  }
0xdc: {  	_ = 	snop  }
0xdd: {  	[tilespmem:s11], [sflag:$0x4] =	stream.indirect.gather [hbm4b:s3+s18], $0x40, s10, s18, $0xb8;
	[tilespmem:$0x19640] =	vst v63  }
0xde: {  	_ = 	snop  }
0xdf: {  	[tilespmem:s21], [sflag:$0x4] =	stream.indirect.gather [hbm4b:s3+s16], $0x40, s19, s16, $0xb8;
	[tilespmem:$0x19640] =	vst v63  }
0xe0: {  	_ = 	snop  }
0xe1: {  	[tilespmem:s4], [sflag:$0x4] =	stream.indirect.gather [hbm4b:s3+s18], $0x40, s23, s18, $0xb8;
	[tilespmem:$0x19640] =	vst v63  }
0xe2: {  	_ =	swait.ge [sflag:s24], $0xC800  }
0xe3: {  	[sflag:s24] =	ssyncset.done $0x0  }
0xe4: {  	s23 =	rddreg [dreg:$0xc];
	[sflag:s24] =	ssyncadd.s32 $0xFFFF3800  }
0xe5: {  	[hbm4b:s23+s2] =	stream.linear.scatter [tilespmem:s17], [sflag:$0x5], $0xC800, $0x38;
	[tilespmem:$0x19640] =	vst v63  }
0xe6: {  	_ = 	snop  }
0xe7: {  	[tilespmem:s2], [sflag:$0x1] =	stream.linear.gather [hbm4b:s30+s2], $0x320, $0x38;
	[tilespmem:$0x19640] =	vst v63  }
0xe8: {  	_ =	swait.ge [sflag:s25], $0xC800  }
0xe9: {  	[sflag:s25] =	ssyncset.done $0x0  }
0xea: {  	[sflag:s25] =	ssyncadd.s32 $0xFFFF3800  }
0xeb: {  	_ =	swait.ge [sflag:s15], $0x320  }
0xec: {  	[sflag:s15] =	ssyncset.done $0x0  }
0xed: {  	[sflag:s15] =	ssyncadd.s32 $0xFFFFFCE0  }
0xee: {  	_ =	swait.ge [sflag:s26], $0xC800  }
0xef: {  	[sflag:s26] =	ssyncset.done $0x0  }
0xf0: {  	s29 =	rddreg [dreg:$0x8];
	[sflag:s26] =	ssyncadd.s32 $0xFFFF3800  }
0xf1: {  	[hbm4b:s29+s2] =	stream.linear.scatter [tilespmem:s5], [sflag:$0x6], $0xC800, $0x38;
	[tilespmem:$0x19640] =	vst v63  }
0xf2: {  	_ =	swait.ge [sflag:s28], $0xC800  }
0xf3: {  	s30 =	rddreg [dreg:$0xe]  }
0xf4: {  	s31 =	rddreg [dreg:$0x9];
	s4 =	sadd.s32 $0x1, s30  }
0xf5: {  	p0 =	sne.s32 s4, s31  }
.Ltmp1:
0xf6: {  	_ = 	snop;
	(pc) =	sbr.rel @p0 .LBB2_1-.Ltmp1, $3  }
0xf7: {  	_ =	sdelay $0x1  }
0xf8: {  	[sflag:s28] =	ssyncset.done $0x0  }
0xf9: {  	[sflag:s28] =	ssyncadd.s32 $0xFFFF3800  }
0xfa: {  	_ =	sfence.sel $0x180000  }
0xfb: {  	[bflag:$0x0] =	sbarrier.arrive $0xFFFF  }
0xfc: {  	_ =	strace $0x90000047  }
0xfd: {  	s0 =	stileid.u32;
	[bflag:$0x2] =	sbarrier.arrive $0xFFFF  }
0xfe: {  	p0 =	sne.s32 s0, $0x0;
	s0 =	rddreg [dreg:$0x2]  }
0xff: {  	s0 =	sadd.s32 @!p0 $0x100000, s0  }
0x100: {  	[sflag:s0] =	ssyncadd.tile.s32 @!p0 $0x1;
	_ =	shalt  }
.Lfunc_end2:
_tile_overlayer_lowered:
.L_overlay_start_2:
0x101: {  	(tag) =	ssettag $0x2  }
0x102: {  	s0 =	rddreg [dreg:$0x0];
	s2 =	stileid.u32  }
0x103: {  	s1 =	rddreg [dreg:$0x1];
	p0 =	sne.s32 s2, $0x0  }
0x104: {  	s3 =	rddreg [dreg:$0x2];
	[bflag:$0x3] =	sbarrier.arrive $0xFFFF;
	s2 =	simm.s32 @!p0 $0x1C07  }
0x105: {  	[timem:s3], [sflag:s2] =	dma.local @!p0 [hbm:s0], s1  }
0x106: {  	s0 =	simm.s32 @!p0 $0x7  }
0x107: {  	_ =	swait.ge @!p0 [sflag:s0], s1  }
0x108: {  	s1 =	ssub.s32 @!p0 $0x0, s1;
	[sflag:s0] =	ssyncset.done @!p0 $0x0  }
0x109: {  	[sflag:s0] =	ssyncadd.s32 @!p0 s1  }
0x10a: {  	[bflag:$0x3] =	sbarrier.arrive $0xFFFF  }
0x10b: {  	_ =	shalt  }

// kernel: sparse-core-data-format-call.cloned.1.call-start
scs
called_computation_lowered:
.L_overlay_start_0:
0x0: {  	s2 =	sld [smem:$0x3FD9]  }
0x1: {  	s3 =	sld [smem:$0x3FFE];
	_ =	sdelay $0x1  }
0x2: {  	s1 =	srdreg.scid  }
0x3: {  	s0 =	sand.u32 $0x1, s1  }
0x4: {  	s18 =	sshll.u32 s0, $0xA;
	s2 =	sadd.s32 s3, s2  }
0x5: {  	s2 =	sadd.s32 s2, s18  }
0x6: {  	[smem:$0x3FC6] =	sst s2  }
0x7: {  	_ = 	snop  }
0x8: {  	s2 =	sld [smem:$0x3FD0];
	(tm) =	ssettm $0x1  }
0x9: {  	s19 =	sld [smem:$0x3FFB];
	_ =	sdelay $0x3  }
0xa: {  	_ =	strace s19  }
0xb: {  	s3 =	sld [smem:$0x3FFC];
	_ =	sdelay $0x3  }
0xc: {  	_ =	strace s3  }
0xd: {  	s3 =	sld [smem:$0x3FFD];
	_ =	sdelay $0x3  }
0xe: {  	_ =	strace s3  }
0xf: {  	_ =	strace $0x8FFFFFFF  }
0x10: {  	s20 =	sld [smem:$0x3FDB];
	_ =	sdelay $0x1  }
0x11: {  	s4 =	simm.s32 $_scs_section_size  }
0x12: {  	s5 =	simm.s32 $_size__tile_overlayer_lowered;
	s6 =	simm.s32 $_tile_overlayer_lowered  }
0x13: {  	s23 =	simm.s32 $0x1BFF;
	s22 =	sshll.u32 s6, $0x1;
	s3 =	sadd.s32 s4, s20  }
0x14: {  	s7 =	simm.s32 $0x0;
	s21 =	sshll.u32 s5, $0x1;
	s5 =	sadd.s32 s22, s3  }
0x15: {  	[timem:s7], [sflag:s23] =	dma.local [hbm:s5], s21  }
0x16: {  	_ =	swait.ge [sflag:s23], s21  }
0x17: {  	s4 =	ssub.s32 $0x0, s21;
	[sflag:s23] =	ssyncset.done $0x0  }
0x18: {  	[sflag:s23] =	ssyncadd.s32 s4;
	_ =	sdelay $0x1  }
0x19: {  	s24 =	simm.s32 $0x1B8B  }
0x1a: {  	_ =	swait.ge [sflag:s24], $0x1  }
0x1b: {  	[sflag:s24] =	ssyncset.done $0x0  }
0x1c: {  	s26 =	simm.s32 $0x1B8E;
	s25 =	sld [smem:$0x3FFE];
	[sflag:s24] =	ssyncadd.s32 $0xFFFFFFFF  }
0x1d: {  	s27 =	simm.s32 $execute0_lowered;
	[smem:$0x3FD2] =	sst s26  }
0x1e: {  	s5 =	sshll.u32 s27, $0x1;
	_ =	strace $0x80000049;
	[dreg:$0x1] =	wrdreg $0xFFFFFFFF  }
0x1f: {  	s28 =	simm.s32 $_size_execute0_lowered;
	s3 =	sadd.s32 s3, s5;
	[dreg:$0x0] =	wrdreg $0x0  }
0x20: {  	s5 =	sshll.u32 s28, $0x1;
	[dreg:$0x2] =	wrdreg s3  }
0x21: {  	[dreg:$0x3] =	wrdreg s5  }
0x22: {  	[dreg:$0x4] =	wrdreg $0xC0  }
0x23: {  	_ =	task [dreg:s7], $0x5FFFF  }
0x24: {  	[dreg:$0x1] =	wrdreg $0xFFFFFFFF  }
0x25: {  	[dreg:$0x0] =	wrdreg $0x60  }
0x26: {  	[dreg:$0x2] =	wrdreg s25  }
0x27: {  	[dreg:$0x3] =	wrdreg s2  }
0x28: {  	[dreg:$0x4] =	wrdreg $0x9  }
0x29: {  	_ =	task.clear_ibuf [dreg:s7], $0x5FFFF;
	_ =	strace $0x90000049  }
0x2a: {  	s29 =	simm.s32 $0x9;
	_ =	strace $0x8000004B  }
0x2b: {  	_ =	swait.ge [sflag:s29], $0x1  }
0x2c: {  	[sflag:s29] =	ssyncadd.s32 $0xFFFFFFFF  }
0x2d: {  	_ =	strace $0x9000004B  }
0x2e: {  	_ =	sfence  }
0x2f: {  	s30 =	sld [smem:$0x0];
	_ =	sdelay $0x2  }
0x30: {  	s31 =	sshll.u32 s1, $0xD;
	s1 =	sshrl.u32 s1, $0x2  }
0x31: {  	s3 =	sand.u32 $0x4000, s31;
	s1 =	sadd.s32 s1, s30  }
0x32: {  	s0 =	sor.u32 s3, s0;
	s1 =	sshll.u32 s1, $0x11  }
0x33: {  	s0 =	sor.u32 s1, s0  }
0x34: {  	s0 =	sadd.s32 $0x8F2B, s0  }
0x35: {  	[sflag:s0] =	ssyncadd.remote.s32 $0x1  }
0x36: {  	_ =	sfence.sel $0xFFFF  }
0x37: {  	[dreg:$0x0] =	wrdreg $0xFFFFFFFF;
	(pc) =	sbr.abs _section_cstart, $3  }
0x38: {  	[dreg:$0x1] =	wrdreg $0xFFFFFFFF  }
0x39: {  	_ =	task.clear_ibuf [dreg:s7], $0x2FFFF;
	_ =	strace $0x9FFFFFFF  }
0x3a: {  	(tm) =	ssettm $0x7FFFFFFF  }
0x3b: {  	_ =	shalt  }
tec
execute0_lowered:
.L_overlay_start_1:
0x0: {  	(tag) =	ssettag $0x1  }
0x1: {  	s0 =	srdreg.scid  }
0x2: {  	s1 =	sshll.u32 s0, $0x4  }
0x3: {  	s0 =	stileid.u32;
	s1 =	sand.u32 $0x10, s1  }
0x4: {  	s1 =	sor.u32 s0, s1  }
0x5: {  	s6 =	rddreg [dreg:$0x0];
	s4 =	simm.s32 $0x1;
	s2 =	sshll.u32 s1, $0x7  }
0x6: {  	s7 =	simm.s32 $0x2;
	s12 =	simm.s32 $0x0;
	s1 =	ssub.s32 $0x4000, s2  }
0x7: {  	s8 =	simm.s32 $0x20000;
	s13 =	simm.s32 $0x0;
	s3 =	sand.u32 $0xF80, s1  }
0x8: {  	s9 =	simm.s32 $0x0;
	s5 =	sshrl.u32 s1, $0xC;
	p0 =	sne.s32 s3, $0x0  }
.Ltmp0:
0x9: {  	s1 =	rddreg [dreg:$0x2];
	s4 =	simm.s32 @!p0 $0x0;
	(pc) =	sbr.rel .LBB1_1-.Ltmp0, $4  }
0xa: {  	s11 =	simm.s32 $0x0;
	s3 =	rddreg [dreg:$0x1];
	s5 =	sadd.s32 s4, s5  }
0xb: {  	_ =	strace $0x8000004A;
	s4 =	simm.s32 $0x1;
	s5 =	smul.u32 $0xC8, s5  }
0xc: {  	s6 =	sadd.s32 $0x800, s6;
	s10 =	smov.u32 s2;
	[sflag:s4] =	ssyncpa.u1 $0x0  }
0xd: {  	p0 =	por $0x0, $0x0;
	[sflag:s7] =	ssyncpa.u1 $0x0;
	s7 =	sor.u32 $0x1, s5  }
.LBB1_4:
0xe: {  	s16 =	sshll.u32 s13, $0x3;
	s17 =	sand.u32 $0x78, s13  }
0xf: {  	s30 =	sand.u32 $0x1F800, s13;
	s12 =	sshll.u32 s12, $0x11;
	s16 =	sand.u32 $0x3C00, s16  }
0x10: {  	[tilespmem:s15+$0x810 ss:$0x81] =	vst.msk $0xffff, v2;
	s31 =	sand.u32 $0x7, s13;
	s16 =	sor.u32 s17, s16;
	s17 =	sadd.s32 s3, s30  }
0x11: {  	[tilespmem:s15+$0x1020 ss:$0x81] =	vst.msk $0xffff, v0;
	s13 =	sshll.u32 s31, $0x12;
	s12 =	sadd.s32 s12, s17;
	s16 =	sshrl.u32 s16, $0x3  }
0x12: {  	[tilespmem:s15+$0x0 ss:$0x81] =	vst.msk $0xffff, v1;
	s13 =	sor.u32 $0x400, s13;
	s12 =	sadd.s32 s16, s12  }
0x13: {  	[hbm4b:s12+s13] =	stream.strided.scatter [tilespmem:s14], [sflag:$0x2], $0x2000, s8, s13, $0x20;
	[tilespmem:$0x8080] =	vst v63  }
.LBB1_5:
0x14: {  	s14 =	sadd.s32 $0x1, s9  }
0x15: {  	s12 =	sadd.s32 $0x1000, s10;
	s16 =	smov.u32 s10;
	p2 =	sgt.s32 s14, $0xC7  }
0x16: {  	s16 =	smov.u32 @p2 s12  }
0x17: {  	s14 =	simm.s32 @p2 $0x0;
	p2 =	sgt.s32 s16, $0x3FFF  }
0x18: {  	s16 =	smov.u32 @p2 s2;
	p2 =	sne.s32 s11, s7  }
.Ltmp1:
0x19: {  	p1 =	slt.u32 s11, $0x2;
	(pc) =	sbr.rel @!p2 .LBB1_6-.Ltmp1, $4  }
0x1a: {  	s15 =	simm.s32 @!p1 $0x2  }
0x1b: {  	s13 =	smov.u32 s10;
	p0 =	por !p0, !p0;
	_ =	swait.ge @!p1 [sflag:s15], $0x2000  }
0x1c: {  	s12 =	smov.u32 s9;
	[sflag:s15] =	ssyncset.done @!p1 $0x0;
	s9 =	smov.u32 s14  }
0x1d: {  	s11 =	sadd.s32 $0x1, s11;
	[sflag:s15] =	ssyncadd.s32 @!p1 $0xFFFFE000;
	s10 =	smov.u32 s16  }
.LBB1_1:
0x1e: {  	p1 =	sge.u32 s11, s5  }
0x1f: {  	s14 =	sand.u32 @!p1 $0x1FFFFFF, s9  }
0x20: {  	s15 =	smulhi.u32 @!p1 $0x147AE15, s14;
	_ =	sdelay $0x1  }
0x21: {  	s15 =	smul.u32 @!p1 $0xC8, s15  }
0x22: {  	s16 =	sxor.u32 @!p1 $0xFFFFFFFF, s11;
	s17 =	smul.u32 @!p1 $0xC80, s10  }
0x23: {  	s31 =	sadd.s32 $0xFFFFFFFF, s11;
	s16 =	sshll.u32 @!p1 s16, $0xD;
	s14 =	ssub.s32 @!p1 s14, s15  }
0x24: {  	s15 =	sand.u32 @!p1 $0x2000, s16;
	s16 =	sadd.s32 @!p1 s6, s17;
	s14 =	sshll.u32 @!p1 s14, $0x4  }
0x25: {  	s17 =	simm.s32 @!p1 $0x6400;
	s14 =	sadd.s32 @!p1 s14, s16;
	s16 =	simm.s32 @!p1 $0x40  }
0x26: {  	[tilespmem:s15], [sflag:$0x1] =	stream.strided.gather @!p1 [hbm4b:s14+s16], $0x2000, s17, s16, $0x38;
	[tilespmem:$0x8080] =	vst v63  }
0x27: {  	p1 =	sge.u32 s31, s5  }
.Ltmp2:
0x28: {  	_ = 	snop;
	(pc) =	sbr.rel @p1 .LBB1_5-.Ltmp2, $1  }
0x29: {  	_ =	sdelay $0x3  }
0x2a: {  	s14 =	simm.s32 $0x1  }
0x2b: {  	_ =	swait.ge [sflag:s4], $0x2000;
	s14 =	simm.s32 @!p0 $0x0  }
0x2c: {  	[sflag:s4] =	ssyncset.done $0x0;
	s15 =	sshll.u32 s14, $0xD  }
0x2d: {  	[sflag:s4] =	ssyncadd.s32 $0xFFFFE000;
	s18 =	sor.u32 $0x20, s15  }
0x2e: {  	s14 =	smul.u32 $0x8100, s14;
	v3 =	vld [tilespmem:s18+$0x10]  }
0x2f: {  	s30 =	sand.u32 $0x1, s11;
	v2 =	vld [tilespmem:s18+$0xFFFFFFF0]  }
0x30: {  	s15 =	smul.u32 $0x8100, s30;
	s14 =	sshrl.u32 s14, $0x2;
	v0 =	vld [tilespmem:s18+$0x0]  }
0x31: {  	v1 =	vld [tilespmem:s18+$0xFFFFFFE0];
	s16 =	sor.u32 $0x4000, s14  }
0x32: {  	s31 =	sshrl.u32 s15, $0x2;
	s15 =	sadd.s32 $0x0, s16  }
0x33: {  	s17 =	simm.s32 $0x4;
	s18 =	sadd.s32 $0x40, s18;
	s14 =	sor.u32 $0x4000, s31;
	[tilespmem:s15+$0x1830 ss:$0x81] =	vst.msk $0xffff, v3  }
.LBB1_3:
0x34: {  	v3 =	vld [tilespmem:s18+$0x10];
	p1 =	sne.s32 s17, $0x1FC;
	[tilespmem:s15+$0x810 ss:$0x81] =	vst.msk $0xffff, v2;
	s19 =	smov.u32 s17;
	s17 =	sadd.s32 $0x4, s17  }
.Ltmp3:
0x35: {  	v2 =	vld [tilespmem:s18+$0xFFFFFFF0];
	[tilespmem:s15+$0x1020 ss:$0x81] =	vst.msk $0xffff, v0;
	(pc) =	sbr.rel @p1 .LBB1_3-.Ltmp3, $4  }
0x36: {  	v0 =	vld [tilespmem:s18+$0x0];
	[tilespmem:s15+$0x0 ss:$0x81] =	vst.msk $0xffff, v1  }
0x37: {  	s15 =	sshra.s32 s19, $0x2;
	v1 =	vld [tilespmem:s18+$0xFFFFFFE0]  }
0x38: {  	s15 =	sadd.s32 s15, s16  }
0x39: {  	s18 =	sadd.s32 $0x40, s18;
	[tilespmem:s15+$0x1830 ss:$0x81] =	vst.msk $0xffff, v3  }
.Ltmp4:
0x3a: {  	_ = 	snop;
	(pc) =	sbr.rel .LBB1_4-.Ltmp4, $1  }
0x3b: {  	_ =	sdelay $0x3  }
.LBB1_6:
0x3c: {  	_ =	sfence.sel $0x180000  }
0x3d: {  	s2 =	simm.s32 $0x1;
	[bflag:$0x0] =	sbarrier.arrive $0xFFFF  }
0x3e: {  	s31 =	simm.s32 $0x2;
	[sflag:s2] =	ssyncpa.u1 $0x1  }
0x3f: {  	[sflag:s31] =	ssyncpa.u1 $0x1  }
0x40: {  	p0 =	sne.s32 s0, $0x0;
	_ =	strace $0x9000004A  }
0x41: {  	s0 =	sadd.s32 @!p0 $0x100000, s1;
	[bflag:$0x2] =	sbarrier.arrive $0xFFFF  }
0x42: {  	[sflag:s0] =	ssyncadd.tile.s32 @!p0 $0x1;
	_ =	shalt  }
.Lfunc_end1:
_tile_overlayer_lowered:
.L_overlay_start_2:
0x43: {  	(tag) =	ssettag $0x2  }
0x44: {  	s0 =	rddreg [dreg:$0x0];
	s2 =	stileid.u32  }
0x45: {  	s1 =	rddreg [dreg:$0x1];
	p0 =	sne.s32 s2, $0x0  }
0x46: {  	s3 =	rddreg [dreg:$0x2];
	[bflag:$0x3] =	sbarrier.arrive $0xFFFF;
	s2 =	simm.s32 @!p0 $0x1C01  }
0x47: {  	[timem:s3], [sflag:s2] =	dma.local @!p0 [hbm:s0], s1  }
0x48: {  	s0 =	simm.s32 @!p0 $0x1  }
0x49: {  	_ =	swait.ge @!p0 [sflag:s0], s1  }
0x4a: {  	s1 =	ssub.s32 @!p0 $0x0, s1;
	[sflag:s0] =	ssyncset.done @!p0 $0x0  }
0x4b: {  	[sflag:s0] =	ssyncadd.s32 @!p0 s1  }
0x4c: {  	[bflag:$0x3] =	sbarrier.arrive $0xFFFF  }
0x4d: {  	_ =	shalt  }

</sc_bundles>
